<compile_context>
chip_gen: v7x
topology: tpu7x:2x2x1
jax: 0.10.2.dev20260603
libtpu: 0.0.44.dev20260713+nightly
codegen_flags: <defaults>
</compile_context>

<pallas_src>
import functools

import jax
import jax.numpy as jnp
from jax import lax
from jax.experimental import pallas as pl
from jax.experimental.pallas import tpu as pltpu
from jax.experimental.pallas import tpu_sc as plsc

N = 10000
D = 128
H = 128
GATE = 3 * H

NUM_CORES = 2
NUM_TILES = 16
CHUNK = 64
CHUNKS = 320
GROUP = 40
NGROUPS = CHUNKS // GROUP
MSTEPS = (GROUP - 4) // 4
E_PAD = NUM_TILES * CHUNKS * CHUNK
ROWS_PER_TILE = 640
N_PAD = NUM_TILES * ROWS_PER_TILE

ROW_BLOCK = 400


def _sc_agg_build():
  mesh = plsc.VectorSubcoreMesh(core_axis_name="c", subcore_axis_name="s")

  @functools.partial(
      pl.kernel,
      out_type=jax.ShapeDtypeStruct((NUM_CORES, N_PAD, D), jnp.float32),
      mesh=mesh,
      scratch_types=[
          pltpu.VMEM_SHARED((N_PAD, D), jnp.float32),
          pltpu.VMEM((GROUP, CHUNK), jnp.int32),
          pltpu.VMEM((GROUP, CHUNK), jnp.int32),
          [pltpu.VMEM((CHUNK, D), jnp.float32)] * 4,
          [pltpu.SemaphoreType.DMA] * 4,
          [pltpu.SemaphoreType.DMA] * 4,
      ],
  )
  def sc_agg(tab_hbm, src_hbm, dst_hbm, zeros_hbm, out_hbm,
             acc, src_v, dst_v, rows, sg, ss):
    c = lax.axis_index("c")
    s = lax.axis_index("s")
    base = s * ROWS_PER_TILE
    pltpu.sync_copy(zeros_hbm, acc.at[pl.ds(base, ROWS_PER_TILE)])
    plsc.subcore_barrier()

    def fire_g(j, k):
      pltpu.async_copy(tab_hbm.at[src_v.at[j]], rows[k], sg[k])

    def wait_g(j, k):
      pltpu.make_async_copy(tab_hbm.at[src_v.at[j]], rows[k], sg[k]).wait()

    def fire_s(j, k):
      return pltpu.async_copy(rows[k], acc.at[dst_v.at[j]], ss[k], add=True)

    def group_body(g, carry):
      pltpu.sync_copy(src_hbm.at[c, s, pl.ds(g * GROUP, GROUP)], src_v)
      pltpu.sync_copy(dst_hbm.at[s, pl.ds(g * GROUP, GROUP)], dst_v)
      for k in range(4):
        fire_g(k, k)

      def mbody(m, inner):
        j = 4 * m
        ds = []
        for k in range(4):
          wait_g(j + k, k)
          ds.append(fire_s(j + k, k))
        for k in range(4):
          ds[k].wait()
          fire_g(j + 4 + k, k)
        return inner

      lax.fori_loop(0, MSTEPS, mbody, carry)
      j = GROUP - 4
      ds = []
      for k in range(4):
        wait_g(j + k, k)
        ds.append(fire_s(j + k, k))
      for k in range(4):
        ds[k].wait()
      return carry

    lax.fori_loop(0, NGROUPS, group_body, 0)
    plsc.subcore_barrier()
    pltpu.sync_copy(acc.at[pl.ds(base, ROWS_PER_TILE)],
                    out_hbm.at[c, pl.ds(base, ROWS_PER_TILE)])

  return sc_agg


_sc_agg = _sc_agg_build()


def _tc_gru(x_ref, h_ref, agg_ref, wxroot_ref, wxrel_ref, whroot_ref,
            whrel_ref, b1_ref, b2_ref, o_ref):
  xb = x_ref[...]
  hb = h_ref[...]
  ax = agg_ref[0]
  ah = agg_ref[1]
  f32 = jnp.float32
  wx = (jnp.dot(xb, wxroot_ref[...], preferred_element_type=f32)
        + jnp.dot(ax, wxrel_ref[...], preferred_element_type=f32)
        + b1_ref[...])
  wh = (jnp.dot(hb, whroot_ref[...], preferred_element_type=f32)
        + jnp.dot(ah, whrel_ref[...], preferred_element_type=f32)
        + b2_ref[...])
  r = jax.nn.sigmoid(wx[:, :H] + wh[:, :H])
  z = jax.nn.sigmoid(wx[:, H:2 * H] + wh[:, H:2 * H])
  q = jnp.tanh(wx[:, 2 * H:] + r * wh[:, 2 * H:])
  o_ref[...] = (1.0 - z) * q + z * hb


def kernel(x, edge_index, h, Wx_rel, Wx_root, bx_rel, Wh_rel, Wh_root,
           bh_rel, bias):
  e = edge_index.shape[1]
  src = edge_index[0].astype(jnp.int32)
  dst = edge_index[1].astype(jnp.int32)
  pad = E_PAD - e
  src_p = jnp.concatenate([src, jnp.zeros((pad,), jnp.int32)])
  dst_p = jnp.concatenate([dst, jnp.full((pad,), N, jnp.int32)])
  src4 = jnp.stack([src_p, src_p + N]).reshape(NUM_CORES, NUM_TILES, CHUNKS,
                                               CHUNK)
  dst3 = dst_p.reshape(NUM_TILES, CHUNKS, CHUNK)
  tab = jnp.concatenate([x, h], axis=0)
  zeros = jnp.zeros((ROWS_PER_TILE, D), jnp.float32)

  agg = _sc_agg(tab, src4, dst3, zeros)

  b1 = (bx_rel + bias).reshape(1, GATE)
  b2 = bh_rel.reshape(1, GATE)

  grid = (N // ROW_BLOCK,)
  h_new = pl.pallas_call(
      _tc_gru,
      grid=grid,
      in_specs=[
          pl.BlockSpec((ROW_BLOCK, D), lambda i: (i, 0)),
          pl.BlockSpec((ROW_BLOCK, D), lambda i: (i, 0)),
          pl.BlockSpec((NUM_CORES, ROW_BLOCK, D), lambda i: (0, i, 0)),
          pl.BlockSpec((D, GATE), lambda i: (0, 0)),
          pl.BlockSpec((D, GATE), lambda i: (0, 0)),
          pl.BlockSpec((D, GATE), lambda i: (0, 0)),
          pl.BlockSpec((D, GATE), lambda i: (0, 0)),
          pl.BlockSpec((1, GATE), lambda i: (0, 0)),
          pl.BlockSpec((1, GATE), lambda i: (0, 0)),
      ],
      out_specs=pl.BlockSpec((ROW_BLOCK, D), lambda i: (i, 0)),
      out_shape=jax.ShapeDtypeStruct((N, H), jnp.float32),
  )(x, h, agg, Wx_root, Wx_rel, Wh_root, Wh_rel, b1, b2)
  return h_new

# --- scband reference (transcript-rebuilt; emitter-appended) ---
"""Pipeline reference for scband-grugnncell-1795296330120 (READ-ONLY COPY).

The authoritative reference and input builder live on the scoring server;
editing this copy changes nothing except your own understanding.
"""

import jax, jax.numpy as jnp
import numpy as np

N = 10000
E = 320000
D_IN = 128
H = 128
GATE = 3 * H


def _graphconv(x, edge_index, W_rel, W_root, b_rel):
    # PyG GraphConv (aggr='add'): out_i = W_root x_i + W_rel * sum_{j in N(i)} x_j + b_rel
    src = edge_index[0]
    dst = edge_index[1]
    msgs = jnp.take(x, src, axis=0)
    agg = jax.ops.segment_sum(msgs, dst, num_segments=x.shape[0])
    return agg @ W_rel + b_rel + x @ W_root


def setup_inputs(seed: int = 0) -> dict:
    key = jax.random.key(seed)
    ks = jax.random.split(key, 10)
    x = jax.random.normal(ks[0], (N, D_IN), dtype=jnp.float32)
    edge_index = jax.random.randint(ks[1], (2, E), 0, N, dtype=jnp.int64)
    h = jax.random.normal(ks[2], (N, H), dtype=jnp.float32)
    # Wx GNN: single GraphConv layer input_size -> 3*hidden_size (xavier-like scale)
    sx = 1.0 / np.sqrt(D_IN)
    Wx_rel = jax.random.normal(ks[3], (D_IN, GATE), dtype=jnp.float32) * sx
    Wx_root = jax.random.normal(ks[4], (D_IN, GATE), dtype=jnp.float32) * sx
    bx_rel = jax.random.uniform(ks[5], (GATE,), dtype=jnp.float32, minval=-1.0 / np.sqrt(H), maxval=1.0 / np.sqrt(H))
    # Wh GNN: single GraphConv layer hidden_size -> 3*hidden_size
    sh = 1.0 / np.sqrt(H)
    Wh_rel = jax.random.normal(ks[6], (H, GATE), dtype=jnp.float32) * sh
    Wh_root = jax.random.normal(ks[7], (H, GATE), dtype=jnp.float32) * sh
    bh_rel = jax.random.uniform(ks[8], (GATE,), dtype=jnp.float32, minval=-sh, maxval=sh)
    bias = jax.random.uniform(ks[9], (GATE,), dtype=jnp.float32, minval=-sh, maxval=sh)
    return {"x": x, "edge_index": edge_index, "h": h,
            "Wx_rel": Wx_rel, "Wx_root": Wx_root, "bx_rel": bx_rel,
            "Wh_rel": Wh_rel, "Wh_root": Wh_root, "bh_rel": bh_rel,
            "bias": bias}


def reference(x, edge_index, h, Wx_rel, Wx_root, bx_rel, Wh_rel, Wh_root, bh_rel, bias):
    wx = _graphconv(x, edge_index, Wx_rel, Wx_root, bx_rel)
    wh = _graphconv(h, edge_index, Wh_rel, Wh_root, bh_rel)
    wrx, wzx, wqx = wx[:, :H], wx[:, H:2 * H], wx[:, 2 * H:]
    wrh, wzh, wqh = wh[:, :H], wh[:, H:2 * H], wh[:, 2 * H:]
    br, bz, bq = bias[:H], bias[H:2 * H], bias[2 * H:]
    r = jax.nn.sigmoid(wrx + wrh + br)
    z = jax.nn.sigmoid(wzx + wzh + bz)
    q = jnp.tanh(wqx + r * wqh + bq)
    h_new = (1 - z) * q + z * h
    return h_new

if __name__ == "__main__":
    import jax
    _d = setup_inputs()
    print(jax.jit(kernel)(*tuple(_d.values())))

</pallas_src>

<mosaic_0001>
#map = affine_map<(d0, d1) -> (0, 0)>
#map1 = affine_map<(d0, d1) -> (0, 0, 0, 0)>
#map2 = affine_map<(d0, d1) -> (0, 0, 0)>
module attributes {stable_mosaic.version = 14 : i64} {
  func.func @sc_agg(%arg0: i32, %arg1: i32, %arg2: memref<20000x128xf32, #tpu.memory_space<hbm>>, %arg3: memref<2x16x320x64xi32, #tpu.memory_space<hbm>>, %arg4: memref<16x320x64xi32, #tpu.memory_space<hbm>>, %arg5: memref<640x128xf32, #tpu.memory_space<hbm>>, %arg6: memref<2x10240x128xf32, #tpu.memory_space<hbm>>, %arg7: memref<10240x128xf32, #tpu.memory_space<vmem_shared>>, %arg8: memref<40x64xi32, #tpu.memory_space<vmem>>, %arg9: memref<40x64xi32, #tpu.memory_space<vmem>>, %arg10: memref<64x128xf32, #tpu.memory_space<vmem>>, %arg11: memref<64x128xf32, #tpu.memory_space<vmem>>, %arg12: memref<64x128xf32, #tpu.memory_space<vmem>>, %arg13: memref<64x128xf32, #tpu.memory_space<vmem>>, %arg14: memref<!tpu.dma_semaphore, #tpu.memory_space<semaphore_mem>>, %arg15: memref<!tpu.dma_semaphore, #tpu.memory_space<semaphore_mem>>, %arg16: memref<!tpu.dma_semaphore, #tpu.memory_space<semaphore_mem>>, %arg17: memref<!tpu.dma_semaphore, #tpu.memory_space<semaphore_mem>>, %arg18: memref<!tpu.dma_semaphore, #tpu.memory_space<semaphore_mem>>, %arg19: memref<!tpu.dma_semaphore, #tpu.memory_space<semaphore_mem>>, %arg20: memref<!tpu.dma_semaphore, #tpu.memory_space<semaphore_mem>>, %arg21: memref<!tpu.dma_semaphore, #tpu.memory_space<semaphore_mem>>) attributes {dimension_semantics = [#tpu.dimension_semantics<core_parallel>, #tpu.dimension_semantics<subcore_parallel>], iteration_bounds = array<i64: 2, 16>, scalar_prefetch = 0 : i64, scratch_operands = 15 : i64, tpu.core_type = #tpu.core_type<sc_vector_subcore>, window_params = [{transform_indices = #map}, {transform_indices = #map1}, {transform_indices = #map2}, {transform_indices = #map}, {transform_indices = #map2}]} {
    %mul3A = arith.constant 640 : i32
    %mul3A_0 = arith.muli %arg1, %mul3A : i32
    "tpu.region"() ({
      %run_scoped3A = tpu.sem_alloc : memref<!tpu.dma_semaphore, #tpu.memory_space<semaphore_mem>>
      %dma_start3A = arith.constant 0 : i32
      %dma_start3A_7 = tpu.memref_slice %arg7[%mul3A_0, %dma_start3A] : memref<10240x128xf32, #tpu.memory_space<vmem_shared>> -> memref<640x128xf32, #tpu.memory_space<vmem_shared>>
      tpu.enqueue_dma source(%arg5 : memref<640x128xf32, #tpu.memory_space<hbm>>) target(%dma_start3A_7 : memref<640x128xf32, #tpu.memory_space<vmem_shared>>) target_semaphore(%run_scoped3A : memref<!tpu.dma_semaphore, #tpu.memory_space<semaphore_mem>>)
      %dma_wait3A = arith.constant 0 : i32
      %dma_wait3A_8 = tpu.memref_slice %arg7[%mul3A_0, %dma_wait3A] : memref<10240x128xf32, #tpu.memory_space<vmem_shared>> -> memref<640x128xf32, #tpu.memory_space<vmem_shared>>
      tpu.wait_dma2 semaphore(%run_scoped3A : memref<!tpu.dma_semaphore, #tpu.memory_space<semaphore_mem>>) src(%arg5 : memref<640x128xf32, #tpu.memory_space<hbm>>) dst(%dma_wait3A_8 : memref<640x128xf32, #tpu.memory_space<vmem_shared>>)
      tpu.yield
    }) : () -> ()
    %barrier3A = arith.constant 0 : index
    tpu.barrier barrier_id(%barrier3A)
    %scan3A = arith.constant 0 : i32
    %scan3A_1 = arith.constant 0 : i32
    %scan3A_2 = arith.constant 8 : i32
    %scan3A_3 = arith.addi %scan3A_1, %scan3A_2 : i32
    %scan3A_4 = arith.constant 1 : i32
    scf.for %scan3A_7 = %scan3A_1 to %scan3A_3 step %scan3A_4  : i32 {
      %mul3A_8 = arith.constant 40 : i32
      %mul3A_9 = arith.muli %scan3A_7, %mul3A_8 : i32
      "tpu.region"() ({
        %run_scoped3A = tpu.sem_alloc : memref<!tpu.dma_semaphore, #tpu.memory_space<semaphore_mem>>
        %dma_start3A_127 = arith.constant 0 : i32
        %dma_start3A_128 = tpu.memref_slice %arg3[%arg0, %arg1, %mul3A_9, %dma_start3A_127] : memref<2x16x320x64xi32, #tpu.memory_space<hbm>> -> memref<1x1x40x64xi32, #tpu.memory_space<hbm>>
        %dma_start3A_129 = tpu.memref_squeeze %dma_start3A_128 : memref<1x1x40x64xi32, #tpu.memory_space<hbm>> -> memref<40x64xi32, #tpu.memory_space<hbm>>
        %dma_start3A_130 = arith.constant 0 : i32
        %dma_start3A_131 = tpu.memref_slice %arg3[%arg0, %arg1, %mul3A_9, %dma_start3A_130] : memref<2x16x320x64xi32, #tpu.memory_space<hbm>> -> memref<1x1x40x64xi32, #tpu.memory_space<hbm>>
        %dma_start3A_132 = tpu.memref_squeeze %dma_start3A_131 : memref<1x1x40x64xi32, #tpu.memory_space<hbm>> -> memref<40x64xi32, #tpu.memory_space<hbm>>
        tpu.enqueue_dma source(%dma_start3A_132 : memref<40x64xi32, #tpu.memory_space<hbm>>) target(%arg8 : memref<40x64xi32, #tpu.memory_space<vmem>>) target_semaphore(%run_scoped3A : memref<!tpu.dma_semaphore, #tpu.memory_space<semaphore_mem>>)
        %dma_wait3A_133 = arith.constant 0 : i32
        %dma_wait3A_134 = tpu.memref_slice %arg3[%arg0, %arg1, %mul3A_9, %dma_wait3A_133] : memref<2x16x320x64xi32, #tpu.memory_space<hbm>> -> memref<1x1x40x64xi32, #tpu.memory_space<hbm>>
        %dma_wait3A_135 = tpu.memref_squeeze %dma_wait3A_134 : memref<1x1x40x64xi32, #tpu.memory_space<hbm>> -> memref<40x64xi32, #tpu.memory_space<hbm>>
        %dma_wait3A_136 = arith.constant 0 : i32
        %dma_wait3A_137 = tpu.memref_slice %arg3[%arg0, %arg1, %mul3A_9, %dma_wait3A_136] : memref<2x16x320x64xi32, #tpu.memory_space<hbm>> -> memref<1x1x40x64xi32, #tpu.memory_space<hbm>>
        %dma_wait3A_138 = tpu.memref_squeeze %dma_wait3A_137 : memref<1x1x40x64xi32, #tpu.memory_space<hbm>> -> memref<40x64xi32, #tpu.memory_space<hbm>>
        tpu.wait_dma2 semaphore(%run_scoped3A : memref<!tpu.dma_semaphore, #tpu.memory_space<semaphore_mem>>) src(%dma_wait3A_138 : memref<40x64xi32, #tpu.memory_space<hbm>>) dst(%arg8 : memref<40x64xi32, #tpu.memory_space<vmem>>)
        tpu.yield
      }) : () -> ()
      %mul3A_10 = arith.constant 40 : i32
      %mul3A_11 = arith.muli %scan3A_7, %mul3A_10 : i32
      "tpu.region"() ({
        %run_scoped3A = tpu.sem_alloc : memref<!tpu.dma_semaphore, #tpu.memory_space<semaphore_mem>>
        %dma_start3A_127 = arith.constant 0 : i32
        %dma_start3A_128 = tpu.memref_slice %arg4[%arg1, %mul3A_11, %dma_start3A_127] : memref<16x320x64xi32, #tpu.memory_space<hbm>> -> memref<1x40x64xi32, #tpu.memory_space<hbm>>
        %dma_start3A_129 = tpu.memref_squeeze %dma_start3A_128 : memref<1x40x64xi32, #tpu.memory_space<hbm>> -> memref<40x64xi32, #tpu.memory_space<hbm>>
        %dma_start3A_130 = arith.constant 0 : i32
        %dma_start3A_131 = tpu.memref_slice %arg4[%arg1, %mul3A_11, %dma_start3A_130] : memref<16x320x64xi32, #tpu.memory_space<hbm>> -> memref<1x40x64xi32, #tpu.memory_space<hbm>>
        %dma_start3A_132 = tpu.memref_squeeze %dma_start3A_131 : memref<1x40x64xi32, #tpu.memory_space<hbm>> -> memref<40x64xi32, #tpu.memory_space<hbm>>
        tpu.enqueue_dma source(%dma_start3A_132 : memref<40x64xi32, #tpu.memory_space<hbm>>) target(%arg9 : memref<40x64xi32, #tpu.memory_space<vmem>>) target_semaphore(%run_scoped3A : memref<!tpu.dma_semaphore, #tpu.memory_space<semaphore_mem>>)
        %dma_wait3A_133 = arith.constant 0 : i32
        %dma_wait3A_134 = tpu.memref_slice %arg4[%arg1, %mul3A_11, %dma_wait3A_133] : memref<16x320x64xi32, #tpu.memory_space<hbm>> -> memref<1x40x64xi32, #tpu.memory_space<hbm>>
        %dma_wait3A_135 = tpu.memref_squeeze %dma_wait3A_134 : memref<1x40x64xi32, #tpu.memory_space<hbm>> -> memref<40x64xi32, #tpu.memory_space<hbm>>
        %dma_wait3A_136 = arith.constant 0 : i32
        %dma_wait3A_137 = tpu.memref_slice %arg4[%arg1, %mul3A_11, %dma_wait3A_136] : memref<16x320x64xi32, #tpu.memory_space<hbm>> -> memref<1x40x64xi32, #tpu.memory_space<hbm>>
        %dma_wait3A_138 = tpu.memref_squeeze %dma_wait3A_137 : memref<1x40x64xi32, #tpu.memory_space<hbm>> -> memref<40x64xi32, #tpu.memory_space<hbm>>
        tpu.wait_dma2 semaphore(%run_scoped3A : memref<!tpu.dma_semaphore, #tpu.memory_space<semaphore_mem>>) src(%dma_wait3A_138 : memref<40x64xi32, #tpu.memory_space<hbm>>) dst(%arg9 : memref<40x64xi32, #tpu.memory_space<vmem>>)
        tpu.yield
      }) : () -> ()
      %dma_start3A = arith.constant 0 : i32
      %dma_start3A_12 = arith.constant 0 : i32
      %dma_start3A_13 = tpu.memref_slice %arg8[%dma_start3A, %dma_start3A_12] : memref<40x64xi32, #tpu.memory_space<vmem>> -> memref<1x64xi32, #tpu.memory_space<vmem>>
      %dma_start3A_14 = tpu.memref_squeeze %dma_start3A_13 : memref<1x64xi32, #tpu.memory_space<vmem>> -> memref<64xi32, #tpu.memory_space<vmem>>
      %dma_start3A_15 = arith.constant 0 : i32
      %dma_start3A_16 = arith.constant 0 : i32
      %dma_start3A_17 = tpu.memref_slice %arg2[%dma_start3A_15, %dma_start3A_16] : memref<20000x128xf32, #tpu.memory_space<hbm>> -> memref<20000x128xf32, #tpu.memory_space<hbm>>
      tpu.enqueue_indirect_dma source(%dma_start3A_17 : memref<20000x128xf32, #tpu.memory_space<hbm>>) target(%arg10 : memref<64x128xf32, #tpu.memory_space<vmem>>) offsets(%dma_start3A_14 : memref<64xi32, #tpu.memory_space<vmem>>) semaphore(%arg14 : memref<!tpu.dma_semaphore, #tpu.memory_space<semaphore_mem>>)
      %dma_start3A_18 = arith.constant 1 : i32
      %dma_start3A_19 = arith.constant 0 : i32
      %dma_start3A_20 = tpu.memref_slice %arg8[%dma_start3A_18, %dma_start3A_19] : memref<40x64xi32, #tpu.memory_space<vmem>> -> memref<1x64xi32, #tpu.memory_space<vmem>>
      %dma_start3A_21 = tpu.memref_squeeze %dma_start3A_20 : memref<1x64xi32, #tpu.memory_space<vmem>> -> memref<64xi32, #tpu.memory_space<vmem>>
      %dma_start3A_22 = arith.constant 0 : i32
      %dma_start3A_23 = arith.constant 0 : i32
      %dma_start3A_24 = tpu.memref_slice %arg2[%dma_start3A_22, %dma_start3A_23] : memref<20000x128xf32, #tpu.memory_space<hbm>> -> memref<20000x128xf32, #tpu.memory_space<hbm>>
      tpu.enqueue_indirect_dma source(%dma_start3A_24 : memref<20000x128xf32, #tpu.memory_space<hbm>>) target(%arg11 : memref<64x128xf32, #tpu.memory_space<vmem>>) offsets(%dma_start3A_21 : memref<64xi32, #tpu.memory_space<vmem>>) semaphore(%arg15 : memref<!tpu.dma_semaphore, #tpu.memory_space<semaphore_mem>>)
      %dma_start3A_25 = arith.constant 2 : i32
      %dma_start3A_26 = arith.constant 0 : i32
      %dma_start3A_27 = tpu.memref_slice %arg8[%dma_start3A_25, %dma_start3A_26] : memref<40x64xi32, #tpu.memory_space<vmem>> -> memref<1x64xi32, #tpu.memory_space<vmem>>
      %dma_start3A_28 = tpu.memref_squeeze %dma_start3A_27 : memref<1x64xi32, #tpu.memory_space<vmem>> -> memref<64xi32, #tpu.memory_space<vmem>>
      %dma_start3A_29 = arith.constant 0 : i32
      %dma_start3A_30 = arith.constant 0 : i32
      %dma_start3A_31 = tpu.memref_slice %arg2[%dma_start3A_29, %dma_start3A_30] : memref<20000x128xf32, #tpu.memory_space<hbm>> -> memref<20000x128xf32, #tpu.memory_space<hbm>>
      tpu.enqueue_indirect_dma source(%dma_start3A_31 : memref<20000x128xf32, #tpu.memory_space<hbm>>) target(%arg12 : memref<64x128xf32, #tpu.memory_space<vmem>>) offsets(%dma_start3A_28 : memref<64xi32, #tpu.memory_space<vmem>>) semaphore(%arg16 : memref<!tpu.dma_semaphore, #tpu.memory_space<semaphore_mem>>)
      %dma_start3A_32 = arith.constant 3 : i32
      %dma_start3A_33 = arith.constant 0 : i32
      %dma_start3A_34 = tpu.memref_slice %arg8[%dma_start3A_32, %dma_start3A_33] : memref<40x64xi32, #tpu.memory_space<vmem>> -> memref<1x64xi32, #tpu.memory_space<vmem>>
      %dma_start3A_35 = tpu.memref_squeeze %dma_start3A_34 : memref<1x64xi32, #tpu.memory_space<vmem>> -> memref<64xi32, #tpu.memory_space<vmem>>
      %dma_start3A_36 = arith.constant 0 : i32
      %dma_start3A_37 = arith.constant 0 : i32
      %dma_start3A_38 = tpu.memref_slice %arg2[%dma_start3A_36, %dma_start3A_37] : memref<20000x128xf32, #tpu.memory_space<hbm>> -> memref<20000x128xf32, #tpu.memory_space<hbm>>
      tpu.enqueue_indirect_dma source(%dma_start3A_38 : memref<20000x128xf32, #tpu.memory_space<hbm>>) target(%arg13 : memref<64x128xf32, #tpu.memory_space<vmem>>) offsets(%dma_start3A_35 : memref<64xi32, #tpu.memory_space<vmem>>) semaphore(%arg17 : memref<!tpu.dma_semaphore, #tpu.memory_space<semaphore_mem>>)
      %scan3A_39 = arith.constant 0 : i32
      %scan3A_40 = arith.constant 9 : i32
      %scan3A_41 = arith.addi %scan3A_39, %scan3A_40 : i32
      %scan3A_42 = arith.constant 1 : i32
      scf.for %scan3A_127 = %scan3A_39 to %scan3A_41 step %scan3A_42  : i32 {
        %mul3A_128 = arith.constant 4 : i32
        %mul3A_129 = arith.muli %mul3A_128, %scan3A_127 : i32
        %add3A = arith.constant 0 : i32
        %add3A_130 = arith.addi %mul3A_129, %add3A : i32
        %dma_wait3A_131 = arith.constant 0 : i32
        %dma_wait3A_132 = tpu.memref_slice %arg8[%add3A_130, %dma_wait3A_131] : memref<40x64xi32, #tpu.memory_space<vmem>> -> memref<1x64xi32, #tpu.memory_space<vmem>>
        %dma_wait3A_133 = tpu.memref_squeeze %dma_wait3A_132 : memref<1x64xi32, #tpu.memory_space<vmem>> -> memref<64xi32, #tpu.memory_space<vmem>>
        %dma_wait3A_134 = arith.constant 0 : i32
        %dma_wait3A_135 = arith.constant 0 : i32
        %dma_wait3A_136 = tpu.memref_slice %arg2[%dma_wait3A_134, %dma_wait3A_135] : memref<20000x128xf32, #tpu.memory_space<hbm>> -> memref<20000x128xf32, #tpu.memory_space<hbm>>
        tpu.wait_indirect_dma semaphore(%arg14 : memref<!tpu.dma_semaphore, #tpu.memory_space<semaphore_mem>>) src(%dma_wait3A_136 : memref<20000x128xf32, #tpu.memory_space<hbm>>) dst(%arg10 : memref<64x128xf32, #tpu.memory_space<vmem>>)
        %add3A_137 = arith.constant 0 : i32
        %add3A_138 = arith.addi %mul3A_129, %add3A_137 : i32
        %dma_start3A_139 = arith.constant 0 : i32
        %dma_start3A_140 = tpu.memref_slice %arg9[%add3A_138, %dma_start3A_139] : memref<40x64xi32, #tpu.memory_space<vmem>> -> memref<1x64xi32, #tpu.memory_space<vmem>>
        %dma_start3A_141 = tpu.memref_squeeze %dma_start3A_140 : memref<1x64xi32, #tpu.memory_space<vmem>> -> memref<64xi32, #tpu.memory_space<vmem>>
        %dma_start3A_142 = arith.constant 0 : i32
        %dma_start3A_143 = arith.constant 0 : i32
        %dma_start3A_144 = tpu.memref_slice %arg7[%dma_start3A_142, %dma_start3A_143] : memref<10240x128xf32, #tpu.memory_space<vmem_shared>> -> memref<10240x128xf32, #tpu.memory_space<vmem_shared>>
        tpu.enqueue_indirect_dma source(%arg10 : memref<64x128xf32, #tpu.memory_space<vmem>>) target(%dma_start3A_144 : memref<10240x128xf32, #tpu.memory_space<vmem_shared>>) offsets(%dma_start3A_141 : memref<64xi32, #tpu.memory_space<vmem>>) semaphore(%arg18 : memref<!tpu.dma_semaphore, #tpu.memory_space<semaphore_mem>>) {add = true}
        %add3A_145 = arith.constant 1 : i32
        %add3A_146 = arith.addi %mul3A_129, %add3A_145 : i32
        %dma_wait3A_147 = arith.constant 0 : i32
        %dma_wait3A_148 = tpu.memref_slice %arg8[%add3A_146, %dma_wait3A_147] : memref<40x64xi32, #tpu.memory_space<vmem>> -> memref<1x64xi32, #tpu.memory_space<vmem>>
        %dma_wait3A_149 = tpu.memref_squeeze %dma_wait3A_148 : memref<1x64xi32, #tpu.memory_space<vmem>> -> memref<64xi32, #tpu.memory_space<vmem>>
        %dma_wait3A_150 = arith.constant 0 : i32
        %dma_wait3A_151 = arith.constant 0 : i32
        %dma_wait3A_152 = tpu.memref_slice %arg2[%dma_wait3A_150, %dma_wait3A_151] : memref<20000x128xf32, #tpu.memory_space<hbm>> -> memref<20000x128xf32, #tpu.memory_space<hbm>>
        tpu.wait_indirect_dma semaphore(%arg15 : memref<!tpu.dma_semaphore, #tpu.memory_space<semaphore_mem>>) src(%dma_wait3A_152 : memref<20000x128xf32, #tpu.memory_space<hbm>>) dst(%arg11 : memref<64x128xf32, #tpu.memory_space<vmem>>)
        %add3A_153 = arith.constant 1 : i32
        %add3A_154 = arith.addi %mul3A_129, %add3A_153 : i32
        %dma_start3A_155 = arith.constant 0 : i32
        %dma_start3A_156 = tpu.memref_slice %arg9[%add3A_154, %dma_start3A_155] : memref<40x64xi32, #tpu.memory_space<vmem>> -> memref<1x64xi32, #tpu.memory_space<vmem>>
        %dma_start3A_157 = tpu.memref_squeeze %dma_start3A_156 : memref<1x64xi32, #tpu.memory_space<vmem>> -> memref<64xi32, #tpu.memory_space<vmem>>
        %dma_start3A_158 = arith.constant 0 : i32
        %dma_start3A_159 = arith.constant 0 : i32
        %dma_start3A_160 = tpu.memref_slice %arg7[%dma_start3A_158, %dma_start3A_159] : memref<10240x128xf32, #tpu.memory_space<vmem_shared>> -> memref<10240x128xf32, #tpu.memory_space<vmem_shared>>
        tpu.enqueue_indirect_dma source(%arg11 : memref<64x128xf32, #tpu.memory_space<vmem>>) target(%dma_start3A_160 : memref<10240x128xf32, #tpu.memory_space<vmem_shared>>) offsets(%dma_start3A_157 : memref<64xi32, #tpu.memory_space<vmem>>) semaphore(%arg19 : memref<!tpu.dma_semaphore, #tpu.memory_space<semaphore_mem>>) {add = true}
        %add3A_161 = arith.constant 2 : i32
        %add3A_162 = arith.addi %mul3A_129, %add3A_161 : i32
        %dma_wait3A_163 = arith.constant 0 : i32
        %dma_wait3A_164 = tpu.memref_slice %arg8[%add3A_162, %dma_wait3A_163] : memref<40x64xi32, #tpu.memory_space<vmem>> -> memref<1x64xi32, #tpu.memory_space<vmem>>
        %dma_wait3A_165 = tpu.memref_squeeze %dma_wait3A_164 : memref<1x64xi32, #tpu.memory_space<vmem>> -> memref<64xi32, #tpu.memory_space<vmem>>
        %dma_wait3A_166 = arith.constant 0 : i32
        %dma_wait3A_167 = arith.constant 0 : i32
        %dma_wait3A_168 = tpu.memref_slice %arg2[%dma_wait3A_166, %dma_wait3A_167] : memref<20000x128xf32, #tpu.memory_space<hbm>> -> memref<20000x128xf32, #tpu.memory_space<hbm>>
        tpu.wait_indirect_dma semaphore(%arg16 : memref<!tpu.dma_semaphore, #tpu.memory_space<semaphore_mem>>) src(%dma_wait3A_168 : memref<20000x128xf32, #tpu.memory_space<hbm>>) dst(%arg12 : memref<64x128xf32, #tpu.memory_space<vmem>>)
        %add3A_169 = arith.constant 2 : i32
        %add3A_170 = arith.addi %mul3A_129, %add3A_169 : i32
        %dma_start3A_171 = arith.constant 0 : i32
        %dma_start3A_172 = tpu.memref_slice %arg9[%add3A_170, %dma_start3A_171] : memref<40x64xi32, #tpu.memory_space<vmem>> -> memref<1x64xi32, #tpu.memory_space<vmem>>
        %dma_start3A_173 = tpu.memref_squeeze %dma_start3A_172 : memref<1x64xi32, #tpu.memory_space<vmem>> -> memref<64xi32, #tpu.memory_space<vmem>>
        %dma_start3A_174 = arith.constant 0 : i32
        %dma_start3A_175 = arith.constant 0 : i32
        %dma_start3A_176 = tpu.memref_slice %arg7[%dma_start3A_174, %dma_start3A_175] : memref<10240x128xf32, #tpu.memory_space<vmem_shared>> -> memref<10240x128xf32, #tpu.memory_space<vmem_shared>>
        tpu.enqueue_indirect_dma source(%arg12 : memref<64x128xf32, #tpu.memory_space<vmem>>) target(%dma_start3A_176 : memref<10240x128xf32, #tpu.memory_space<vmem_shared>>) offsets(%dma_start3A_173 : memref<64xi32, #tpu.memory_space<vmem>>) semaphore(%arg20 : memref<!tpu.dma_semaphore, #tpu.memory_space<semaphore_mem>>) {add = true}
        %add3A_177 = arith.constant 3 : i32
        %add3A_178 = arith.addi %mul3A_129, %add3A_177 : i32
        %dma_wait3A_179 = arith.constant 0 : i32
        %dma_wait3A_180 = tpu.memref_slice %arg8[%add3A_178, %dma_wait3A_179] : memref<40x64xi32, #tpu.memory_space<vmem>> -> memref<1x64xi32, #tpu.memory_space<vmem>>
        %dma_wait3A_181 = tpu.memref_squeeze %dma_wait3A_180 : memref<1x64xi32, #tpu.memory_space<vmem>> -> memref<64xi32, #tpu.memory_space<vmem>>
        %dma_wait3A_182 = arith.constant 0 : i32
        %dma_wait3A_183 = arith.constant 0 : i32
        %dma_wait3A_184 = tpu.memref_slice %arg2[%dma_wait3A_182, %dma_wait3A_183] : memref<20000x128xf32, #tpu.memory_space<hbm>> -> memref<20000x128xf32, #tpu.memory_space<hbm>>
        tpu.wait_indirect_dma semaphore(%arg17 : memref<!tpu.dma_semaphore, #tpu.memory_space<semaphore_mem>>) src(%dma_wait3A_184 : memref<20000x128xf32, #tpu.memory_space<hbm>>) dst(%arg13 : memref<64x128xf32, #tpu.memory_space<vmem>>)
        %add3A_185 = arith.constant 3 : i32
        %add3A_186 = arith.addi %mul3A_129, %add3A_185 : i32
        %dma_start3A_187 = arith.constant 0 : i32
        %dma_start3A_188 = tpu.memref_slice %arg9[%add3A_186, %dma_start3A_187] : memref<40x64xi32, #tpu.memory_space<vmem>> -> memref<1x64xi32, #tpu.memory_space<vmem>>
        %dma_start3A_189 = tpu.memref_squeeze %dma_start3A_188 : memref<1x64xi32, #tpu.memory_space<vmem>> -> memref<64xi32, #tpu.memory_space<vmem>>
        %dma_start3A_190 = arith.constant 0 : i32
        %dma_start3A_191 = arith.constant 0 : i32
        %dma_start3A_192 = tpu.memref_slice %arg7[%dma_start3A_190, %dma_start3A_191] : memref<10240x128xf32, #tpu.memory_space<vmem_shared>> -> memref<10240x128xf32, #tpu.memory_space<vmem_shared>>
        tpu.enqueue_indirect_dma source(%arg13 : memref<64x128xf32, #tpu.memory_space<vmem>>) target(%dma_start3A_192 : memref<10240x128xf32, #tpu.memory_space<vmem_shared>>) offsets(%dma_start3A_189 : memref<64xi32, #tpu.memory_space<vmem>>) semaphore(%arg21 : memref<!tpu.dma_semaphore, #tpu.memory_space<semaphore_mem>>) {add = true}
        %dma_wait3A_193 = arith.constant 0 : i32
        %dma_wait3A_194 = tpu.memref_slice %arg9[%add3A_138, %dma_wait3A_193] : memref<40x64xi32, #tpu.memory_space<vmem>> -> memref<1x64xi32, #tpu.memory_space<vmem>>
        %dma_wait3A_195 = tpu.memref_squeeze %dma_wait3A_194 : memref<1x64xi32, #tpu.memory_space<vmem>> -> memref<64xi32, #tpu.memory_space<vmem>>
        %dma_wait3A_196 = arith.constant 0 : i32
        %dma_wait3A_197 = arith.constant 0 : i32
        %dma_wait3A_198 = tpu.memref_slice %arg7[%dma_wait3A_196, %dma_wait3A_197] : memref<10240x128xf32, #tpu.memory_space<vmem_shared>> -> memref<10240x128xf32, #tpu.memory_space<vmem_shared>>
        tpu.wait_indirect_dma semaphore(%arg18 : memref<!tpu.dma_semaphore, #tpu.memory_space<semaphore_mem>>) src(%arg10 : memref<64x128xf32, #tpu.memory_space<vmem>>) dst(%dma_wait3A_198 : memref<10240x128xf32, #tpu.memory_space<vmem_shared>>)
        %add3A_199 = arith.constant 4 : i32
        %add3A_200 = arith.addi %mul3A_129, %add3A_199 : i32
        %add3A_201 = arith.constant 0 : i32
        %add3A_202 = arith.addi %add3A_200, %add3A_201 : i32
        %dma_start3A_203 = arith.constant 0 : i32
        %dma_start3A_204 = tpu.memref_slice %arg8[%add3A_202, %dma_start3A_203] : memref<40x64xi32, #tpu.memory_space<vmem>> -> memref<1x64xi32, #tpu.memory_space<vmem>>
        %dma_start3A_205 = tpu.memref_squeeze %dma_start3A_204 : memref<1x64xi32, #tpu.memory_space<vmem>> -> memref<64xi32, #tpu.memory_space<vmem>>
        %dma_start3A_206 = arith.constant 0 : i32
        %dma_start3A_207 = arith.constant 0 : i32
        %dma_start3A_208 = tpu.memref_slice %arg2[%dma_start3A_206, %dma_start3A_207] : memref<20000x128xf32, #tpu.memory_space<hbm>> -> memref<20000x128xf32, #tpu.memory_space<hbm>>
        tpu.enqueue_indirect_dma source(%dma_start3A_208 : memref<20000x128xf32, #tpu.memory_space<hbm>>) target(%arg10 : memref<64x128xf32, #tpu.memory_space<vmem>>) offsets(%dma_start3A_205 : memref<64xi32, #tpu.memory_space<vmem>>) semaphore(%arg14 : memref<!tpu.dma_semaphore, #tpu.memory_space<semaphore_mem>>)
        %dma_wait3A_209 = arith.constant 0 : i32
        %dma_wait3A_210 = tpu.memref_slice %arg9[%add3A_154, %dma_wait3A_209] : memref<40x64xi32, #tpu.memory_space<vmem>> -> memref<1x64xi32, #tpu.memory_space<vmem>>
        %dma_wait3A_211 = tpu.memref_squeeze %dma_wait3A_210 : memref<1x64xi32, #tpu.memory_space<vmem>> -> memref<64xi32, #tpu.memory_space<vmem>>
        %dma_wait3A_212 = arith.constant 0 : i32
        %dma_wait3A_213 = arith.constant 0 : i32
        %dma_wait3A_214 = tpu.memref_slice %arg7[%dma_wait3A_212, %dma_wait3A_213] : memref<10240x128xf32, #tpu.memory_space<vmem_shared>> -> memref<10240x128xf32, #tpu.memory_space<vmem_shared>>
        tpu.wait_indirect_dma semaphore(%arg19 : memref<!tpu.dma_semaphore, #tpu.memory_space<semaphore_mem>>) src(%arg11 : memref<64x128xf32, #tpu.memory_space<vmem>>) dst(%dma_wait3A_214 : memref<10240x128xf32, #tpu.memory_space<vmem_shared>>)
        %add3A_215 = arith.constant 4 : i32
        %add3A_216 = arith.addi %mul3A_129, %add3A_215 : i32
        %add3A_217 = arith.constant 1 : i32
        %add3A_218 = arith.addi %add3A_216, %add3A_217 : i32
        %dma_start3A_219 = arith.constant 0 : i32
        %dma_start3A_220 = tpu.memref_slice %arg8[%add3A_218, %dma_start3A_219] : memref<40x64xi32, #tpu.memory_space<vmem>> -> memref<1x64xi32, #tpu.memory_space<vmem>>
        %dma_start3A_221 = tpu.memref_squeeze %dma_start3A_220 : memref<1x64xi32, #tpu.memory_space<vmem>> -> memref<64xi32, #tpu.memory_space<vmem>>
        %dma_start3A_222 = arith.constant 0 : i32
        %dma_start3A_223 = arith.constant 0 : i32
        %dma_start3A_224 = tpu.memref_slice %arg2[%dma_start3A_222, %dma_start3A_223] : memref<20000x128xf32, #tpu.memory_space<hbm>> -> memref<20000x128xf32, #tpu.memory_space<hbm>>
        tpu.enqueue_indirect_dma source(%dma_start3A_224 : memref<20000x128xf32, #tpu.memory_space<hbm>>) target(%arg11 : memref<64x128xf32, #tpu.memory_space<vmem>>) offsets(%dma_start3A_221 : memref<64xi32, #tpu.memory_space<vmem>>) semaphore(%arg15 : memref<!tpu.dma_semaphore, #tpu.memory_space<semaphore_mem>>)
        %dma_wait3A_225 = arith.constant 0 : i32
        %dma_wait3A_226 = tpu.memref_slice %arg9[%add3A_170, %dma_wait3A_225] : memref<40x64xi32, #tpu.memory_space<vmem>> -> memref<1x64xi32, #tpu.memory_space<vmem>>
        %dma_wait3A_227 = tpu.memref_squeeze %dma_wait3A_226 : memref<1x64xi32, #tpu.memory_space<vmem>> -> memref<64xi32, #tpu.memory_space<vmem>>
        %dma_wait3A_228 = arith.constant 0 : i32
        %dma_wait3A_229 = arith.constant 0 : i32
        %dma_wait3A_230 = tpu.memref_slice %arg7[%dma_wait3A_228, %dma_wait3A_229] : memref<10240x128xf32, #tpu.memory_space<vmem_shared>> -> memref<10240x128xf32, #tpu.memory_space<vmem_shared>>
        tpu.wait_indirect_dma semaphore(%arg20 : memref<!tpu.dma_semaphore, #tpu.memory_space<semaphore_mem>>) src(%arg12 : memref<64x128xf32, #tpu.memory_space<vmem>>) dst(%dma_wait3A_230 : memref<10240x128xf32, #tpu.memory_space<vmem_shared>>)
        %add3A_231 = arith.constant 4 : i32
        %add3A_232 = arith.addi %mul3A_129, %add3A_231 : i32
        %add3A_233 = arith.constant 2 : i32
        %add3A_234 = arith.addi %add3A_232, %add3A_233 : i32
        %dma_start3A_235 = arith.constant 0 : i32
        %dma_start3A_236 = tpu.memref_slice %arg8[%add3A_234, %dma_start3A_235] : memref<40x64xi32, #tpu.memory_space<vmem>> -> memref<1x64xi32, #tpu.memory_space<vmem>>
        %dma_start3A_237 = tpu.memref_squeeze %dma_start3A_236 : memref<1x64xi32, #tpu.memory_space<vmem>> -> memref<64xi32, #tpu.memory_space<vmem>>
        %dma_start3A_238 = arith.constant 0 : i32
        %dma_start3A_239 = arith.constant 0 : i32
        %dma_start3A_240 = tpu.memref_slice %arg2[%dma_start3A_238, %dma_start3A_239] : memref<20000x128xf32, #tpu.memory_space<hbm>> -> memref<20000x128xf32, #tpu.memory_space<hbm>>
        tpu.enqueue_indirect_dma source(%dma_start3A_240 : memref<20000x128xf32, #tpu.memory_space<hbm>>) target(%arg12 : memref<64x128xf32, #tpu.memory_space<vmem>>) offsets(%dma_start3A_237 : memref<64xi32, #tpu.memory_space<vmem>>) semaphore(%arg16 : memref<!tpu.dma_semaphore, #tpu.memory_space<semaphore_mem>>)
        %dma_wait3A_241 = arith.constant 0 : i32
        %dma_wait3A_242 = tpu.memref_slice %arg9[%add3A_186, %dma_wait3A_241] : memref<40x64xi32, #tpu.memory_space<vmem>> -> memref<1x64xi32, #tpu.memory_space<vmem>>
        %dma_wait3A_243 = tpu.memref_squeeze %dma_wait3A_242 : memref<1x64xi32, #tpu.memory_space<vmem>> -> memref<64xi32, #tpu.memory_space<vmem>>
        %dma_wait3A_244 = arith.constant 0 : i32
        %dma_wait3A_245 = arith.constant 0 : i32
        %dma_wait3A_246 = tpu.memref_slice %arg7[%dma_wait3A_244, %dma_wait3A_245] : memref<10240x128xf32, #tpu.memory_space<vmem_shared>> -> memref<10240x128xf32, #tpu.memory_space<vmem_shared>>
        tpu.wait_indirect_dma semaphore(%arg21 : memref<!tpu.dma_semaphore, #tpu.memory_space<semaphore_mem>>) src(%arg13 : memref<64x128xf32, #tpu.memory_space<vmem>>) dst(%dma_wait3A_246 : memref<10240x128xf32, #tpu.memory_space<vmem_shared>>)
        %add3A_247 = arith.constant 4 : i32
        %add3A_248 = arith.addi %mul3A_129, %add3A_247 : i32
        %add3A_249 = arith.constant 3 : i32
        %add3A_250 = arith.addi %add3A_248, %add3A_249 : i32
        %dma_start3A_251 = arith.constant 0 : i32
        %dma_start3A_252 = tpu.memref_slice %arg8[%add3A_250, %dma_start3A_251] : memref<40x64xi32, #tpu.memory_space<vmem>> -> memref<1x64xi32, #tpu.memory_space<vmem>>
        %dma_start3A_253 = tpu.memref_squeeze %dma_start3A_252 : memref<1x64xi32, #tpu.memory_space<vmem>> -> memref<64xi32, #tpu.memory_space<vmem>>
        %dma_start3A_254 = arith.constant 0 : i32
        %dma_start3A_255 = arith.constant 0 : i32
        %dma_start3A_256 = tpu.memref_slice %arg2[%dma_start3A_254, %dma_start3A_255] : memref<20000x128xf32, #tpu.memory_space<hbm>> -> memref<20000x128xf32, #tpu.memory_space<hbm>>
        tpu.enqueue_indirect_dma source(%dma_start3A_256 : memref<20000x128xf32, #tpu.memory_space<hbm>>) target(%arg13 : memref<64x128xf32, #tpu.memory_space<vmem>>) offsets(%dma_start3A_253 : memref<64xi32, #tpu.memory_space<vmem>>) semaphore(%arg17 : memref<!tpu.dma_semaphore, #tpu.memory_space<semaphore_mem>>)
      }
      %scan3A_43 = arith.constant 9 : i32
      %dma_wait3A = arith.constant 36 : i32
      %dma_wait3A_44 = arith.constant 0 : i32
      %dma_wait3A_45 = tpu.memref_slice %arg8[%dma_wait3A, %dma_wait3A_44] : memref<40x64xi32, #tpu.memory_space<vmem>> -> memref<1x64xi32, #tpu.memory_space<vmem>>
      %dma_wait3A_46 = tpu.memref_squeeze %dma_wait3A_45 : memref<1x64xi32, #tpu.memory_space<vmem>> -> memref<64xi32, #tpu.memory_space<vmem>>
      %dma_wait3A_47 = arith.constant 0 : i32
      %dma_wait3A_48 = arith.constant 0 : i32
      %dma_wait3A_49 = tpu.memref_slice %arg2[%dma_wait3A_47, %dma_wait3A_48] : memref<20000x128xf32, #tpu.memory_space<hbm>> -> memref<20000x128xf32, #tpu.memory_space<hbm>>
      tpu.wait_indirect_dma semaphore(%arg14 : memref<!tpu.dma_semaphore, #tpu.memory_space<semaphore_mem>>) src(%dma_wait3A_49 : memref<20000x128xf32, #tpu.memory_space<hbm>>) dst(%arg10 : memref<64x128xf32, #tpu.memory_space<vmem>>)
      %dma_start3A_50 = arith.constant 36 : i32
      %dma_start3A_51 = arith.constant 0 : i32
      %dma_start3A_52 = tpu.memref_slice %arg9[%dma_start3A_50, %dma_start3A_51] : memref<40x64xi32, #tpu.memory_space<vmem>> -> memref<1x64xi32, #tpu.memory_space<vmem>>
      %dma_start3A_53 = tpu.memref_squeeze %dma_start3A_52 : memref<1x64xi32, #tpu.memory_space<vmem>> -> memref<64xi32, #tpu.memory_space<vmem>>
      %dma_start3A_54 = arith.constant 0 : i32
      %dma_start3A_55 = arith.constant 0 : i32
      %dma_start3A_56 = tpu.memref_slice %arg7[%dma_start3A_54, %dma_start3A_55] : memref<10240x128xf32, #tpu.memory_space<vmem_shared>> -> memref<10240x128xf32, #tpu.memory_space<vmem_shared>>
      tpu.enqueue_indirect_dma source(%arg10 : memref<64x128xf32, #tpu.memory_space<vmem>>) target(%dma_start3A_56 : memref<10240x128xf32, #tpu.memory_space<vmem_shared>>) offsets(%dma_start3A_53 : memref<64xi32, #tpu.memory_space<vmem>>) semaphore(%arg18 : memref<!tpu.dma_semaphore, #tpu.memory_space<semaphore_mem>>) {add = true}
      %dma_wait3A_57 = arith.constant 37 : i32
      %dma_wait3A_58 = arith.constant 0 : i32
      %dma_wait3A_59 = tpu.memref_slice %arg8[%dma_wait3A_57, %dma_wait3A_58] : memref<40x64xi32, #tpu.memory_space<vmem>> -> memref<1x64xi32, #tpu.memory_space<vmem>>
      %dma_wait3A_60 = tpu.memref_squeeze %dma_wait3A_59 : memref<1x64xi32, #tpu.memory_space<vmem>> -> memref<64xi32, #tpu.memory_space<vmem>>
      %dma_wait3A_61 = arith.constant 0 : i32
      %dma_wait3A_62 = arith.constant 0 : i32
      %dma_wait3A_63 = tpu.memref_slice %arg2[%dma_wait3A_61, %dma_wait3A_62] : memref<20000x128xf32, #tpu.memory_space<hbm>> -> memref<20000x128xf32, #tpu.memory_space<hbm>>
      tpu.wait_indirect_dma semaphore(%arg15 : memref<!tpu.dma_semaphore, #tpu.memory_space<semaphore_mem>>) src(%dma_wait3A_63 : memref<20000x128xf32, #tpu.memory_space<hbm>>) dst(%arg11 : memref<64x128xf32, #tpu.memory_space<vmem>>)
      %dma_start3A_64 = arith.constant 37 : i32
      %dma_start3A_65 = arith.constant 0 : i32
      %dma_start3A_66 = tpu.memref_slice %arg9[%dma_start3A_64, %dma_start3A_65] : memref<40x64xi32, #tpu.memory_space<vmem>> -> memref<1x64xi32, #tpu.memory_space<vmem>>
      %dma_start3A_67 = tpu.memref_squeeze %dma_start3A_66 : memref<1x64xi32, #tpu.memory_space<vmem>> -> memref<64xi32, #tpu.memory_space<vmem>>
      %dma_start3A_68 = arith.constant 0 : i32
      %dma_start3A_69 = arith.constant 0 : i32
      %dma_start3A_70 = tpu.memref_slice %arg7[%dma_start3A_68, %dma_start3A_69] : memref<10240x128xf32, #tpu.memory_space<vmem_shared>> -> memref<10240x128xf32, #tpu.memory_space<vmem_shared>>
      tpu.enqueue_indirect_dma source(%arg11 : memref<64x128xf32, #tpu.memory_space<vmem>>) target(%dma_start3A_70 : memref<10240x128xf32, #tpu.memory_space<vmem_shared>>) offsets(%dma_start3A_67 : memref<64xi32, #tpu.memory_space<vmem>>) semaphore(%arg19 : memref<!tpu.dma_semaphore, #tpu.memory_space<semaphore_mem>>) {add = true}
      %dma_wait3A_71 = arith.constant 38 : i32
      %dma_wait3A_72 = arith.constant 0 : i32
      %dma_wait3A_73 = tpu.memref_slice %arg8[%dma_wait3A_71, %dma_wait3A_72] : memref<40x64xi32, #tpu.memory_space<vmem>> -> memref<1x64xi32, #tpu.memory_space<vmem>>
      %dma_wait3A_74 = tpu.memref_squeeze %dma_wait3A_73 : memref<1x64xi32, #tpu.memory_space<vmem>> -> memref<64xi32, #tpu.memory_space<vmem>>
      %dma_wait3A_75 = arith.constant 0 : i32
      %dma_wait3A_76 = arith.constant 0 : i32
      %dma_wait3A_77 = tpu.memref_slice %arg2[%dma_wait3A_75, %dma_wait3A_76] : memref<20000x128xf32, #tpu.memory_space<hbm>> -> memref<20000x128xf32, #tpu.memory_space<hbm>>
      tpu.wait_indirect_dma semaphore(%arg16 : memref<!tpu.dma_semaphore, #tpu.memory_space<semaphore_mem>>) src(%dma_wait3A_77 : memref<20000x128xf32, #tpu.memory_space<hbm>>) dst(%arg12 : memref<64x128xf32, #tpu.memory_space<vmem>>)
      %dma_start3A_78 = arith.constant 38 : i32
      %dma_start3A_79 = arith.constant 0 : i32
      %dma_start3A_80 = tpu.memref_slice %arg9[%dma_start3A_78, %dma_start3A_79] : memref<40x64xi32, #tpu.memory_space<vmem>> -> memref<1x64xi32, #tpu.memory_space<vmem>>
      %dma_start3A_81 = tpu.memref_squeeze %dma_start3A_80 : memref<1x64xi32, #tpu.memory_space<vmem>> -> memref<64xi32, #tpu.memory_space<vmem>>
      %dma_start3A_82 = arith.constant 0 : i32
      %dma_start3A_83 = arith.constant 0 : i32
      %dma_start3A_84 = tpu.memref_slice %arg7[%dma_start3A_82, %dma_start3A_83] : memref<10240x128xf32, #tpu.memory_space<vmem_shared>> -> memref<10240x128xf32, #tpu.memory_space<vmem_shared>>
      tpu.enqueue_indirect_dma source(%arg12 : memref<64x128xf32, #tpu.memory_space<vmem>>) target(%dma_start3A_84 : memref<10240x128xf32, #tpu.memory_space<vmem_shared>>) offsets(%dma_start3A_81 : memref<64xi32, #tpu.memory_space<vmem>>) semaphore(%arg20 : memref<!tpu.dma_semaphore, #tpu.memory_space<semaphore_mem>>) {add = true}
      %dma_wait3A_85 = arith.constant 39 : i32
      %dma_wait3A_86 = arith.constant 0 : i32
      %dma_wait3A_87 = tpu.memref_slice %arg8[%dma_wait3A_85, %dma_wait3A_86] : memref<40x64xi32, #tpu.memory_space<vmem>> -> memref<1x64xi32, #tpu.memory_space<vmem>>
      %dma_wait3A_88 = tpu.memref_squeeze %dma_wait3A_87 : memref<1x64xi32, #tpu.memory_space<vmem>> -> memref<64xi32, #tpu.memory_space<vmem>>
      %dma_wait3A_89 = arith.constant 0 : i32
      %dma_wait3A_90 = arith.constant 0 : i32
      %dma_wait3A_91 = tpu.memref_slice %arg2[%dma_wait3A_89, %dma_wait3A_90] : memref<20000x128xf32, #tpu.memory_space<hbm>> -> memref<20000x128xf32, #tpu.memory_space<hbm>>
      tpu.wait_indirect_dma semaphore(%arg17 : memref<!tpu.dma_semaphore, #tpu.memory_space<semaphore_mem>>) src(%dma_wait3A_91 : memref<20000x128xf32, #tpu.memory_space<hbm>>) dst(%arg13 : memref<64x128xf32, #tpu.memory_space<vmem>>)
      %dma_start3A_92 = arith.constant 39 : i32
      %dma_start3A_93 = arith.constant 0 : i32
      %dma_start3A_94 = tpu.memref_slice %arg9[%dma_start3A_92, %dma_start3A_93] : memref<40x64xi32, #tpu.memory_space<vmem>> -> memref<1x64xi32, #tpu.memory_space<vmem>>
      %dma_start3A_95 = tpu.memref_squeeze %dma_start3A_94 : memref<1x64xi32, #tpu.memory_space<vmem>> -> memref<64xi32, #tpu.memory_space<vmem>>
      %dma_start3A_96 = arith.constant 0 : i32
      %dma_start3A_97 = arith.constant 0 : i32
      %dma_start3A_98 = tpu.memref_slice %arg7[%dma_start3A_96, %dma_start3A_97] : memref<10240x128xf32, #tpu.memory_space<vmem_shared>> -> memref<10240x128xf32, #tpu.memory_space<vmem_shared>>
      tpu.enqueue_indirect_dma source(%arg13 : memref<64x128xf32, #tpu.memory_space<vmem>>) target(%dma_start3A_98 : memref<10240x128xf32, #tpu.memory_space<vmem_shared>>) offsets(%dma_start3A_95 : memref<64xi32, #tpu.memory_space<vmem>>) semaphore(%arg21 : memref<!tpu.dma_semaphore, #tpu.memory_space<semaphore_mem>>) {add = true}
      %dma_wait3A_99 = arith.constant 36 : i32
      %dma_wait3A_100 = arith.constant 0 : i32
      %dma_wait3A_101 = tpu.memref_slice %arg9[%dma_wait3A_99, %dma_wait3A_100] : memref<40x64xi32, #tpu.memory_space<vmem>> -> memref<1x64xi32, #tpu.memory_space<vmem>>
      %dma_wait3A_102 = tpu.memref_squeeze %dma_wait3A_101 : memref<1x64xi32, #tpu.memory_space<vmem>> -> memref<64xi32, #tpu.memory_space<vmem>>
      %dma_wait3A_103 = arith.constant 0 : i32
      %dma_wait3A_104 = arith.constant 0 : i32
      %dma_wait3A_105 = tpu.memref_slice %arg7[%dma_wait3A_103, %dma_wait3A_104] : memref<10240x128xf32, #tpu.memory_space<vmem_shared>> -> memref<10240x128xf32, #tpu.memory_space<vmem_shared>>
      tpu.wait_indirect_dma semaphore(%arg18 : memref<!tpu.dma_semaphore, #tpu.memory_space<semaphore_mem>>) src(%arg10 : memref<64x128xf32, #tpu.memory_space<vmem>>) dst(%dma_wait3A_105 : memref<10240x128xf32, #tpu.memory_space<vmem_shared>>)
      %dma_wait3A_106 = arith.constant 37 : i32
      %dma_wait3A_107 = arith.constant 0 : i32
      %dma_wait3A_108 = tpu.memref_slice %arg9[%dma_wait3A_106, %dma_wait3A_107] : memref<40x64xi32, #tpu.memory_space<vmem>> -> memref<1x64xi32, #tpu.memory_space<vmem>>
      %dma_wait3A_109 = tpu.memref_squeeze %dma_wait3A_108 : memref<1x64xi32, #tpu.memory_space<vmem>> -> memref<64xi32, #tpu.memory_space<vmem>>
      %dma_wait3A_110 = arith.constant 0 : i32
      %dma_wait3A_111 = arith.constant 0 : i32
      %dma_wait3A_112 = tpu.memref_slice %arg7[%dma_wait3A_110, %dma_wait3A_111] : memref<10240x128xf32, #tpu.memory_space<vmem_shared>> -> memref<10240x128xf32, #tpu.memory_space<vmem_shared>>
      tpu.wait_indirect_dma semaphore(%arg19 : memref<!tpu.dma_semaphore, #tpu.memory_space<semaphore_mem>>) src(%arg11 : memref<64x128xf32, #tpu.memory_space<vmem>>) dst(%dma_wait3A_112 : memref<10240x128xf32, #tpu.memory_space<vmem_shared>>)
      %dma_wait3A_113 = arith.constant 38 : i32
      %dma_wait3A_114 = arith.constant 0 : i32
      %dma_wait3A_115 = tpu.memref_slice %arg9[%dma_wait3A_113, %dma_wait3A_114] : memref<40x64xi32, #tpu.memory_space<vmem>> -> memref<1x64xi32, #tpu.memory_space<vmem>>
      %dma_wait3A_116 = tpu.memref_squeeze %dma_wait3A_115 : memref<1x64xi32, #tpu.memory_space<vmem>> -> memref<64xi32, #tpu.memory_space<vmem>>
      %dma_wait3A_117 = arith.constant 0 : i32
      %dma_wait3A_118 = arith.constant 0 : i32
      %dma_wait3A_119 = tpu.memref_slice %arg7[%dma_wait3A_117, %dma_wait3A_118] : memref<10240x128xf32, #tpu.memory_space<vmem_shared>> -> memref<10240x128xf32, #tpu.memory_space<vmem_shared>>
      tpu.wait_indirect_dma semaphore(%arg20 : memref<!tpu.dma_semaphore, #tpu.memory_space<semaphore_mem>>) src(%arg12 : memref<64x128xf32, #tpu.memory_space<vmem>>) dst(%dma_wait3A_119 : memref<10240x128xf32, #tpu.memory_space<vmem_shared>>)
      %dma_wait3A_120 = arith.constant 39 : i32
      %dma_wait3A_121 = arith.constant 0 : i32
      %dma_wait3A_122 = tpu.memref_slice %arg9[%dma_wait3A_120, %dma_wait3A_121] : memref<40x64xi32, #tpu.memory_space<vmem>> -> memref<1x64xi32, #tpu.memory_space<vmem>>
      %dma_wait3A_123 = tpu.memref_squeeze %dma_wait3A_122 : memref<1x64xi32, #tpu.memory_space<vmem>> -> memref<64xi32, #tpu.memory_space<vmem>>
      %dma_wait3A_124 = arith.constant 0 : i32
      %dma_wait3A_125 = arith.constant 0 : i32
      %dma_wait3A_126 = tpu.memref_slice %arg7[%dma_wait3A_124, %dma_wait3A_125] : memref<10240x128xf32, #tpu.memory_space<vmem_shared>> -> memref<10240x128xf32, #tpu.memory_space<vmem_shared>>
      tpu.wait_indirect_dma semaphore(%arg21 : memref<!tpu.dma_semaphore, #tpu.memory_space<semaphore_mem>>) src(%arg13 : memref<64x128xf32, #tpu.memory_space<vmem>>) dst(%dma_wait3A_126 : memref<10240x128xf32, #tpu.memory_space<vmem_shared>>)
    }
    %scan3A_5 = arith.constant 8 : i32
    %barrier3A_6 = arith.constant 0 : index
    tpu.barrier barrier_id(%barrier3A_6)
    "tpu.region"() ({
      %run_scoped3A = tpu.sem_alloc : memref<!tpu.dma_semaphore, #tpu.memory_space<semaphore_mem>>
      %dma_start3A = arith.constant 0 : i32
      %dma_start3A_7 = tpu.memref_slice %arg6[%arg0, %mul3A_0, %dma_start3A] : memref<2x10240x128xf32, #tpu.memory_space<hbm>> -> memref<1x640x128xf32, #tpu.memory_space<hbm>>
      %dma_start3A_8 = tpu.memref_squeeze %dma_start3A_7 : memref<1x640x128xf32, #tpu.memory_space<hbm>> -> memref<640x128xf32, #tpu.memory_space<hbm>>
      %dma_start3A_9 = arith.constant 0 : i32
      %dma_start3A_10 = tpu.memref_slice %arg7[%mul3A_0, %dma_start3A_9] : memref<10240x128xf32, #tpu.memory_space<vmem_shared>> -> memref<640x128xf32, #tpu.memory_space<vmem_shared>>
      tpu.enqueue_dma source(%dma_start3A_10 : memref<640x128xf32, #tpu.memory_space<vmem_shared>>) target(%dma_start3A_8 : memref<640x128xf32, #tpu.memory_space<hbm>>) target_semaphore(%run_scoped3A : memref<!tpu.dma_semaphore, #tpu.memory_space<semaphore_mem>>)
      %dma_wait3A = arith.constant 0 : i32
      %dma_wait3A_11 = tpu.memref_slice %arg6[%arg0, %mul3A_0, %dma_wait3A] : memref<2x10240x128xf32, #tpu.memory_space<hbm>> -> memref<1x640x128xf32, #tpu.memory_space<hbm>>
      %dma_wait3A_12 = tpu.memref_squeeze %dma_wait3A_11 : memref<1x640x128xf32, #tpu.memory_space<hbm>> -> memref<640x128xf32, #tpu.memory_space<hbm>>
      %dma_wait3A_13 = arith.constant 0 : i32
      %dma_wait3A_14 = tpu.memref_slice %arg7[%mul3A_0, %dma_wait3A_13] : memref<10240x128xf32, #tpu.memory_space<vmem_shared>> -> memref<640x128xf32, #tpu.memory_space<vmem_shared>>
      tpu.wait_dma2 semaphore(%run_scoped3A : memref<!tpu.dma_semaphore, #tpu.memory_space<semaphore_mem>>) src(%dma_wait3A_14 : memref<640x128xf32, #tpu.memory_space<vmem_shared>>) dst(%dma_wait3A_12 : memref<640x128xf32, #tpu.memory_space<hbm>>)
      tpu.yield
    }) : () -> ()
    return
  }
}

module attributes {stable_mosaic.version = 14 : i64} {
  func.func @_tc_gru(%arg0: i32, %arg1: memref<400x128xf32, #tpu.memory_space<vmem>>, %arg2: memref<400x128xf32, #tpu.memory_space<vmem>>, %arg3: memref<2x400x128xf32, #tpu.memory_space<vmem>>, %arg4: memref<128x384xf32, #tpu.memory_space<vmem>>, %arg5: memref<128x384xf32, #tpu.memory_space<vmem>>, %arg6: memref<128x384xf32, #tpu.memory_space<vmem>>, %arg7: memref<128x384xf32, #tpu.memory_space<vmem>>, %arg8: memref<1x384xf32, #tpu.memory_space<vmem>>, %arg9: memref<1x384xf32, #tpu.memory_space<vmem>>, %arg10: memref<400x128xf32, #tpu.memory_space<vmem>>) attributes {dimension_semantics = [#tpu.dimension_semantics<arbitrary>], iteration_bounds = array<i64: 25>, scalar_prefetch = 0 : i64, scratch_operands = 0 : i64, tpu.core_type = #tpu.core_type<tc>, window_params = [{transform_indices = @transform_0, window_bounds = array<i64: 400, 128>}, {transform_indices = @transform_1, window_bounds = array<i64: 400, 128>}, {transform_indices = @transform_2, window_bounds = array<i64: 2, 400, 128>}, {pipeline_mode = #tpu.pipeline_mode<synchronous>, transform_indices = @transform_3, window_bounds = array<i64: 128, 384>}, {pipeline_mode = #tpu.pipeline_mode<synchronous>, transform_indices = @transform_4, window_bounds = array<i64: 128, 384>}, {pipeline_mode = #tpu.pipeline_mode<synchronous>, transform_indices = @transform_5, window_bounds = array<i64: 128, 384>}, {pipeline_mode = #tpu.pipeline_mode<synchronous>, transform_indices = @transform_6, window_bounds = array<i64: 128, 384>}, {pipeline_mode = #tpu.pipeline_mode<synchronous>, transform_indices = @transform_7, window_bounds = array<i64: 1, 384>}, {pipeline_mode = #tpu.pipeline_mode<synchronous>, transform_indices = @transform_8, window_bounds = array<i64: 1, 384>}, {transform_indices = @transform_9, window_bounds = array<i64: 400, 128>}]} {
    %get3A = arith.constant 0 : index
    %get3A_0 = arith.constant 0 : index
    %get3A_1 = vector.load %arg1[%get3A, %get3A_0] : memref<400x128xf32, #tpu.memory_space<vmem>>, vector<400x128xf32>
    %get3A_2 = arith.constant 0 : index
    %get3A_3 = arith.constant 0 : index
    %get3A_4 = vector.load %arg2[%get3A_2, %get3A_3] : memref<400x128xf32, #tpu.memory_space<vmem>>, vector<400x128xf32>
    %get3A_5 = arith.constant 0 : index
    %get3A_6 = arith.constant 0 : index
    %get3A_7 = arith.constant 0 : index
    %get3A_8 = vector.load %arg3[%get3A_5, %get3A_6, %get3A_7] : memref<2x400x128xf32, #tpu.memory_space<vmem>>, vector<1x400x128xf32>
    %get3A_9 = vector.shape_cast %get3A_8 : vector<1x400x128xf32> to vector<400x128xf32>
    %get3A_10 = arith.constant 1 : index
    %get3A_11 = arith.constant 0 : index
    %get3A_12 = arith.constant 0 : index
    %get3A_13 = vector.load %arg3[%get3A_10, %get3A_11, %get3A_12] : memref<2x400x128xf32, #tpu.memory_space<vmem>>, vector<1x400x128xf32>
    %get3A_14 = vector.shape_cast %get3A_13 : vector<1x400x128xf32> to vector<400x128xf32>
    %get3A_15 = arith.constant 0 : index
    %get3A_16 = arith.constant 0 : index
    %get3A_17 = vector.load %arg4[%get3A_15, %get3A_16] : memref<128x384xf32, #tpu.memory_space<vmem>>, vector<128x384xf32>
    %dot_general3A = arith.constant dense<0.000000e+00> : vector<400x384xf32>
    %dot_general3A_18 = tpu.matmul %get3A_1, %get3A_17, %dot_general3A {dimension_numbers = #tpu.dot_dimension_numbers<[1], [0], [0], [1], [0, 0, 1, 1], [], []>, transpose_lhs_hint = false} : vector<400x128xf32>, vector<128x384xf32>, vector<400x384xf32> -> vector<400x384xf32>
    %get3A_19 = arith.constant 0 : index
    %get3A_20 = arith.constant 0 : index
    %get3A_21 = vector.load %arg5[%get3A_19, %get3A_20] : memref<128x384xf32, #tpu.memory_space<vmem>>, vector<128x384xf32>
    %dot_general3A_22 = arith.constant dense<0.000000e+00> : vector<400x384xf32>
    %dot_general3A_23 = tpu.matmul %get3A_9, %get3A_21, %dot_general3A_22 {dimension_numbers = #tpu.dot_dimension_numbers<[1], [0], [0], [1], [0, 0, 1, 1], [], []>, transpose_lhs_hint = false} : vector<400x128xf32>, vector<128x384xf32>, vector<400x384xf32> -> vector<400x384xf32>
    %add3A = arith.addf %dot_general3A_18, %dot_general3A_23 : vector<400x384xf32>
    %get3A_24 = arith.constant 0 : index
    %get3A_25 = arith.constant 0 : index
    %get3A_26 = vector.load %arg8[%get3A_24, %get3A_25] : memref<1x384xf32, #tpu.memory_space<vmem>>, vector<1x384xf32>
    %add3A_27 = vector.broadcast %get3A_26 : vector<1x384xf32> to vector<400x384xf32>
    %add3A_28 = arith.addf %add3A, %add3A_27 : vector<400x384xf32>
    %get3A_29 = arith.constant 0 : index
    %get3A_30 = arith.constant 0 : index
    %get3A_31 = vector.load %arg6[%get3A_29, %get3A_30] : memref<128x384xf32, #tpu.memory_space<vmem>>, vector<128x384xf32>
    %dot_general3A_32 = arith.constant dense<0.000000e+00> : vector<400x384xf32>
    %dot_general3A_33 = tpu.matmul %get3A_4, %get3A_31, %dot_general3A_32 {dimension_numbers = #tpu.dot_dimension_numbers<[1], [0], [0], [1], [0, 0, 1, 1], [], []>, transpose_lhs_hint = false} : vector<400x128xf32>, vector<128x384xf32>, vector<400x384xf32> -> vector<400x384xf32>
    %get3A_34 = arith.constant 0 : index
    %get3A_35 = arith.constant 0 : index
    %get3A_36 = vector.load %arg7[%get3A_34, %get3A_35] : memref<128x384xf32, #tpu.memory_space<vmem>>, vector<128x384xf32>
    %dot_general3A_37 = arith.constant dense<0.000000e+00> : vector<400x384xf32>
    %dot_general3A_38 = tpu.matmul %get3A_14, %get3A_36, %dot_general3A_37 {dimension_numbers = #tpu.dot_dimension_numbers<[1], [0], [0], [1], [0, 0, 1, 1], [], []>, transpose_lhs_hint = false} : vector<400x128xf32>, vector<128x384xf32>, vector<400x384xf32> -> vector<400x384xf32>
    %add3A_39 = arith.addf %dot_general3A_33, %dot_general3A_38 : vector<400x384xf32>
    %get3A_40 = arith.constant 0 : index
    %get3A_41 = arith.constant 0 : index
    %get3A_42 = vector.load %arg9[%get3A_40, %get3A_41] : memref<1x384xf32, #tpu.memory_space<vmem>>, vector<1x384xf32>
    %add3A_43 = vector.broadcast %get3A_42 : vector<1x384xf32> to vector<400x384xf32>
    %add3A_44 = arith.addf %add3A_39, %add3A_43 : vector<400x384xf32>
    %slice3A = vector.extract_strided_slice %add3A_28 {offsets = [0, 0], sizes = [400, 128], strides = [1, 1]} : vector<400x384xf32> to vector<400x128xf32>
    %slice3A_45 = vector.extract_strided_slice %add3A_44 {offsets = [0, 0], sizes = [400, 128], strides = [1, 1]} : vector<400x384xf32> to vector<400x128xf32>
    %add3A_46 = arith.addf %slice3A, %slice3A_45 : vector<400x128xf32>
    %logistic3A = arith.negf %add3A_46 : vector<400x128xf32>
    %logistic3A_47 = math.exp %logistic3A : vector<400x128xf32>
    %logistic3A_48 = arith.constant 1.000000e+00 : f32
    %logistic3A_49 = vector.broadcast %logistic3A_48 : f32 to vector<400x128xf32>
    %logistic3A_50 = arith.addf %logistic3A_49, %logistic3A_47 : vector<400x128xf32>
    %logistic3A_51 = arith.divf %logistic3A_49, %logistic3A_50 : vector<400x128xf32>
    %slice3A_52 = vector.extract_strided_slice %add3A_28 {offsets = [0, 128], sizes = [400, 128], strides = [1, 1]} : vector<400x384xf32> to vector<400x128xf32>
    %slice3A_53 = vector.extract_strided_slice %add3A_44 {offsets = [0, 128], sizes = [400, 128], strides = [1, 1]} : vector<400x384xf32> to vector<400x128xf32>
    %add3A_54 = arith.addf %slice3A_52, %slice3A_53 : vector<400x128xf32>
    %logistic3A_55 = arith.negf %add3A_54 : vector<400x128xf32>
    %logistic3A_56 = math.exp %logistic3A_55 : vector<400x128xf32>
    %logistic3A_57 = arith.constant 1.000000e+00 : f32
    %logistic3A_58 = vector.broadcast %logistic3A_57 : f32 to vector<400x128xf32>
    %logistic3A_59 = arith.addf %logistic3A_58, %logistic3A_56 : vector<400x128xf32>
    %logistic3A_60 = arith.divf %logistic3A_58, %logistic3A_59 : vector<400x128xf32>
    %slice3A_61 = vector.extract_strided_slice %add3A_28 {offsets = [0, 256], sizes = [400, 128], strides = [1, 1]} : vector<400x384xf32> to vector<400x128xf32>
    %slice3A_62 = vector.extract_strided_slice %add3A_44 {offsets = [0, 256], sizes = [400, 128], strides = [1, 1]} : vector<400x384xf32> to vector<400x128xf32>
    %mul3A = arith.mulf %logistic3A_51, %slice3A_62 : vector<400x128xf32>
    %add3A_63 = arith.addf %slice3A_61, %mul3A : vector<400x128xf32>
    %tanh3A = math.tanh %add3A_63 : vector<400x128xf32>
    %sub3A = arith.constant 1.000000e+00 : f32
    %sub3A_64 = vector.broadcast %sub3A : f32 to vector<400x128xf32>
    %sub3A_65 = arith.subf %sub3A_64, %logistic3A_60 : vector<400x128xf32>
    %mul3A_66 = arith.mulf %sub3A_65, %tanh3A : vector<400x128xf32>
    %mul3A_67 = arith.mulf %logistic3A_60, %get3A_4 : vector<400x128xf32>
    %add3A_68 = arith.addf %mul3A_66, %mul3A_67 : vector<400x128xf32>
    %swap3A = arith.constant 0 : index
    %swap3A_69 = arith.constant 0 : index
    %swap3A_70 = vector.load %arg10[%swap3A, %swap3A_69] : memref<400x128xf32, #tpu.memory_space<vmem>>, vector<400x128xf32>
    tpu.vector_store %arg10[%swap3A, %swap3A_69], %add3A_68 {strides = array<i32>} : memref<400x128xf32, #tpu.memory_space<vmem>>, vector<400x128xf32>,
    return
  }
  func.func @transform_0(%arg0: i32) -> (i32, i32) {
    %c0_i32 = arith.constant 0 : i32
    %c0_i32_0 = arith.constant 0 : i32
    return %arg0, %c0_i32 : i32, i32
  }
  func.func @transform_1(%arg0: i32) -> (i32, i32) {
    %c0_i32 = arith.constant 0 : i32
    %c0_i32_0 = arith.constant 0 : i32
    return %arg0, %c0_i32 : i32, i32
  }
  func.func @transform_2(%arg0: i32) -> (i32, i32, i32) {
    %c0_i32 = arith.constant 0 : i32
    %c0_i32_0 = arith.constant 0 : i32
    %c0_i32_1 = arith.constant 0 : i32
    return %c0_i32, %arg0, %c0_i32_0 : i32, i32, i32
  }
  func.func @transform_3(%arg0: i32) -> (i32, i32) {
    %c0_i32 = arith.constant 0 : i32
    %c0_i32_0 = arith.constant 0 : i32
    %c0_i32_1 = arith.constant 0 : i32
    return %c0_i32, %c0_i32_0 : i32, i32
  }
  func.func @transform_4(%arg0: i32) -> (i32, i32) {
    %c0_i32 = arith.constant 0 : i32
    %c0_i32_0 = arith.constant 0 : i32
    %c0_i32_1 = arith.constant 0 : i32
    return %c0_i32, %c0_i32_0 : i32, i32
  }
  func.func @transform_5(%arg0: i32) -> (i32, i32) {
    %c0_i32 = arith.constant 0 : i32
    %c0_i32_0 = arith.constant 0 : i32
    %c0_i32_1 = arith.constant 0 : i32
    return %c0_i32, %c0_i32_0 : i32, i32
  }
  func.func @transform_6(%arg0: i32) -> (i32, i32) {
    %c0_i32 = arith.constant 0 : i32
    %c0_i32_0 = arith.constant 0 : i32
    %c0_i32_1 = arith.constant 0 : i32
    return %c0_i32, %c0_i32_0 : i32, i32
  }
  func.func @transform_7(%arg0: i32) -> (i32, i32) {
    %c0_i32 = arith.constant 0 : i32
    %c0_i32_0 = arith.constant 0 : i32
    %c0_i32_1 = arith.constant 0 : i32
    return %c0_i32, %c0_i32_0 : i32, i32
  }
  func.func @transform_8(%arg0: i32) -> (i32, i32) {
    %c0_i32 = arith.constant 0 : i32
    %c0_i32_0 = arith.constant 0 : i32
    %c0_i32_1 = arith.constant 0 : i32
    return %c0_i32, %c0_i32_0 : i32, i32
  }
  func.func @transform_9(%arg0: i32) -> (i32, i32) {
    %c0_i32 = arith.constant 0 : i32
    %c0_i32_0 = arith.constant 0 : i32
    return %arg0, %c0_i32 : i32, i32
  }
}

</mosaic_0001>

<sc_bundles>
// kernel: kernel.4.cloned.1.call-start
scs
__scs_entry_jumppad:
0x0: {  	(pc) =	sbr.rel $0x88, $3  }
0x1: {  	(tag) =	ssettag $0x0;
	lr =	simm.s32 $0x1  }
0x2: {  	[smem:$0x3F97] =	sst lr;
	_ =	strace $0xD0000000  }
0x3: {  	_ = 	snop  }
0x4: {  	_ = 	snop  }
0x5: {  	_ = 	snop  }
0x6: {  	_ = 	snop  }
0x7: {  	_ = 	snop  }
__scs_overlays_trampoline_lowered:
0x8: {  	[smem:$0x3FA6] =	sst s0  }
0x9: {  	[smem:$0x3FA7] =	sst s1  }
0xa: {  	[smem:$0x3FA8] =	sst s2  }
0xb: {  	[smem:$0x3FA9] =	sst s3  }
0xc: {  	[smem:$0x3FAA] =	sst s4  }
0xd: {  	[smem:$0x3FAB] =	sst s5  }
0xe: {  	[smem:$0x3FAC] =	sst s6  }
0xf: {  	[smem:$0x3FAD] =	sst s7  }
0x10: {  	[smem:$0x3FAE] =	sst s8  }
0x11: {  	[smem:$0x3FAF] =	sst s9;
	s0 =	simm.s32 @!p0 $0x0  }
0x12: {  	s1 =	sld [smem:$0x3F95];
	s0 =	simm.s32 @p0 $0x1  }
0x13: {  	[smem:$0x3FB0] =	sst s0;
	s0 =	simm.s32 @!p1 $0x0  }
0x14: {  	s2 =	sld [smem:$0x3F94];
	s0 =	simm.s32 @p1 $0x1  }
0x15: {  	[smem:$0x3FB1] =	sst s0;
	s0 =	simm.s32 @!p2 $0x0  }
0x16: {  	s3 =	sld [smem:$0x3FDB];
	s0 =	simm.s32 @p2 $0x1  }
0x17: {  	s4 =	simm.s32 $0x1BF5;
	[smem:$0x3FB3] =	sst s0  }
0x18: {  	s0 =	sld [smem:$0x3F96];
	_ =	swait.ge [sflag:s4], $0x0  }
0x19: {  	s7 =	sld [smem:$0x3F97]  }
0x1a: {  	s8 =	sadd.s32 $0xFFFFE003, lr  }
0x1b: {  	s9 =	sadd.s32 $0xFFFFFEF7, lr;
	s5 =	simm.s32 $0xFFFFFFFF;
	p2 =	slt.u32 s8, $0xFFFFF086  }
0x1c: {  	p1 =	slt.u32 s9, $0xF7A;
	s5 =	simm.s32 @!p2 $0x0  }
0x1d: {  	s5 =	simm.s32 @p1 $0x1;
	p0 =	seq.s32 s7, s2  }
0x1e: {  	s7 =	smul.u32 @!p0 $0xF7A, s2;
	p2 =	seq.s32 @!p0 s5, $0x0  }
0x1f: {  	s9 =	smul.u32 $0xF7A, s1;
	s8 =	simm.s32 @!p0 $0x1BF5;
	p2 =	por !p2, p0  }
0x20: {  	[sflag:s8] =	ssyncset.s32 @!p0 $0xFFFFF086;
	s6 =	sadd.s32 @!p0 s3, s7;
	s7 =	simm.s32 @!p0 $0x108  }
0x21: {  	s3 =	sadd.s32 s3, s9;
	s6 =	sadd.s32 @!p0 $0x88, s6;
	s7 =	simm.s32 @p2 $0x1082  }
0x22: {  	[simem:s7], [sflag:s8] =	dma.local @!p0 [hbm:s6], $0xF7A  }
0x23: {  	s9 =	sor.u32 $0xD0000000, s2;
	s6 =	simm.s32 $0x108;
	_ =	swait.ge @!p0 [sflag:s8], $0x0  }
0x24: {  	s3 =	sadd.s32 $0x88, s3;
	s6 =	simm.s32 @!p1 $0x1082;
	[sflag:s4] =	ssyncset.s32 $0xFFFFF086  }
0x25: {  	[simem:s6], [sflag:s4] =	dma.local [hbm:s3], $0xF7A  }
0x26: {  	[smem:$0x3F97] =	sst s1;
	(tag) =	ssettag s2;
	_ =	strace s9  }
0x27: {  	s1 =	sld [smem:$0x3FA7]  }
0x28: {  	s2 =	sld [smem:$0x3FA8]  }
0x29: {  	s4 =	sld [smem:$0x3FAA]  }
0x2a: {  	p0 =	seq.s32 s5, $0x0;
	s5 =	sld [smem:$0x3FAB]  }
0x2b: {  	s6 =	sld [smem:$0x3FAC]  }
0x2c: {  	s7 =	sld [smem:$0x3FAD]  }
0x2d: {  	s3 =	simm.s32 $0x108;
	s8 =	sld [smem:$0x3FAE]  }
0x2e: {  	s3 =	simm.s32 @!p0 $0x1082;
	s9 =	sld [smem:$0x3FAF]  }
0x2f: {  	lr =	sadd.s32 s0, s3;
	s0 =	sld [smem:$0x3FA6]  }
0x30: {  	s3 =	sld [smem:$0x3FA9]  }
0x31: {  	[smem:$0x3FB2] =	sst s10  }
0x32: {  	s10 =	sld [smem:$0x3FB0];
	_ =	sdelay $0x3  }
0x33: {  	p0 =	seq.s32 s10, $0x1;
	s10 =	sld [smem:$0x3FB2];
	_ =	sdelay $0x3  }
0x34: {  	[smem:$0x3FB2] =	sst s10  }
0x35: {  	s10 =	sld [smem:$0x3FB1];
	_ =	sdelay $0x3  }
0x36: {  	p1 =	seq.s32 s10, $0x1;
	s10 =	sld [smem:$0x3FB2];
	_ =	sdelay $0x3  }
0x37: {  	[smem:$0x3FB2] =	sst s10  }
0x38: {  	s10 =	sld [smem:$0x3FB3]  }
0x39: {  	_ = 	snop;
	(pc) =	sbr.ind lr, $3  }
0x3a: {  	_ = 	snop  }
0x3b: {  	_ = 	snop  }
0x3c: {  	p2 =	seq.s32 s10, $0x1;
	s10 =	sld [smem:$0x3FB2]  }
0x3d: {  	_ =	shalt  }
0x3e: {  	_ =	shalt  }
0x3f: {  	_ =	shalt  }
0x40: {  	_ =	shalt  }
0x41: {  	_ =	shalt  }
0x42: {  	_ =	shalt  }
0x43: {  	_ =	shalt  }
0x44: {  	_ =	shalt  }
0x45: {  	_ =	shalt  }
0x46: {  	_ =	shalt  }
0x47: {  	_ =	shalt  }
0x48: {  	_ =	shalt  }
0x49: {  	_ =	shalt  }
0x4a: {  	_ =	shalt  }
0x4b: {  	_ =	shalt  }
0x4c: {  	_ =	shalt  }
0x4d: {  	_ =	shalt  }
0x4e: {  	_ =	shalt  }
0x4f: {  	_ =	shalt  }
0x50: {  	_ =	shalt  }
0x51: {  	_ =	shalt  }
0x52: {  	_ =	shalt  }
0x53: {  	_ =	shalt  }
0x54: {  	_ =	shalt  }
0x55: {  	_ =	shalt  }
0x56: {  	_ =	shalt  }
0x57: {  	_ =	shalt  }
0x58: {  	_ =	shalt  }
0x59: {  	_ =	shalt  }
0x5a: {  	_ =	shalt  }
0x5b: {  	_ =	shalt  }
0x5c: {  	_ =	shalt  }
0x5d: {  	_ =	shalt  }
0x5e: {  	_ =	shalt  }
0x5f: {  	_ =	shalt  }
0x60: {  	_ =	shalt  }
0x61: {  	_ =	shalt  }
0x62: {  	_ =	shalt  }
0x63: {  	_ =	shalt  }
0x64: {  	_ =	shalt  }
0x65: {  	_ =	shalt  }
0x66: {  	_ =	shalt  }
0x67: {  	_ =	shalt  }
0x68: {  	_ =	shalt  }
0x69: {  	_ =	shalt  }
0x6a: {  	_ =	shalt  }
0x6b: {  	_ =	shalt  }
0x6c: {  	_ =	shalt  }
0x6d: {  	_ =	shalt  }
0x6e: {  	_ =	shalt  }
0x6f: {  	_ =	shalt  }
0x70: {  	_ =	shalt  }
0x71: {  	_ =	shalt  }
0x72: {  	_ =	shalt  }
0x73: {  	_ =	shalt  }
0x74: {  	_ =	shalt  }
0x75: {  	_ =	shalt  }
0x76: {  	_ =	shalt  }
0x77: {  	_ =	shalt  }
0x78: {  	_ =	shalt  }
0x79: {  	_ =	shalt  }
0x7a: {  	_ =	shalt  }
0x7b: {  	_ =	shalt  }
0x7c: {  	_ =	shalt  }
0x7d: {  	_ =	shalt  }
0x7e: {  	_ =	shalt  }
0x7f: {  	_ =	shalt  }
0x80: {  	_ =	shalt  }
0x81: {  	_ =	shalt  }
0x82: {  	_ =	shalt  }
0x83: {  	_ =	shalt  }
0x84: {  	_ =	shalt  }
0x85: {  	_ =	shalt  }
0x86: {  	_ =	shalt  }
0x87: {  	_ =	shalt  }
.Lfunc_end0:
.L_simem_size_0:
called_computation_lowered:
.L_overlay_start_0:
0x88: {  	s2 =	sld [smem:$0x3FD9]  }
0x89: {  	s3 =	sld [smem:$0x3FFE];
	_ =	sdelay $0x1  }
0x8a: {  	s1 =	srdreg.scid  }
0x8b: {  	s0 =	sand.u32 $0x1, s1  }
0x8c: {  	s17 =	sshll.u32 s0, $0xA;
	s2 =	sadd.s32 s3, s2  }
0x8d: {  	s2 =	sadd.s32 s2, s17  }
0x8e: {  	[smem:$0x3FBE] =	sst s2  }
0x8f: {  	_ = 	snop  }
0x90: {  	s2 =	sld [smem:$0x3FD0];
	(tm) =	ssettm $0x1  }
0x91: {  	s18 =	sld [smem:$0x3FFB];
	_ =	sdelay $0x3  }
0x92: {  	_ =	strace s18  }
0x93: {  	s3 =	sld [smem:$0x3FFC];
	_ =	sdelay $0x3  }
0x94: {  	_ =	strace s3  }
0x95: {  	s3 =	sld [smem:$0x3FFD];
	_ =	sdelay $0x3  }
0x96: {  	_ =	strace s3  }
0x97: {  	_ =	strace $0x8FFFFFFF  }
0x98: {  	s19 =	sld [smem:$0x3FDB];
	_ =	sdelay $0x1  }
0x99: {  	s4 =	simm.s32 $_scs_section_size  }
0x9a: {  	s5 =	simm.s32 $_size__tile_overlayer_lowered;
	s6 =	simm.s32 $_tile_overlayer_lowered  }
0x9b: {  	s22 =	simm.s32 $0x1BFF;
	s21 =	sshll.u32 s6, $0x1;
	s3 =	sadd.s32 s4, s19  }
0x9c: {  	s7 =	simm.s32 $0x0;
	s20 =	sshll.u32 s5, $0x1;
	s5 =	sadd.s32 s21, s3  }
0x9d: {  	[timem:s7], [sflag:s22] =	dma.local [hbm:s5], s20  }
0x9e: {  	_ =	swait.ge [sflag:s22], s20  }
0x9f: {  	s4 =	ssub.s32 $0x0, s20;
	[sflag:s22] =	ssyncset.done $0x0  }
0xa0: {  	[sflag:s22] =	ssyncadd.s32 s4;
	_ =	sdelay $0x1  }
0xa1: {  	s23 =	simm.s32 $0x1B8B  }
0xa2: {  	_ =	swait.ge [sflag:s23], $0x1  }
0xa3: {  	[sflag:s23] =	ssyncset.done $0x0  }
0xa4: {  	s25 =	simm.s32 $0x1B8E;
	s24 =	sld [smem:$0x3FFE];
	[sflag:s23] =	ssyncadd.s32 $0xFFFFFFFF  }
0xa5: {  	s26 =	simm.s32 $execute0_lowered;
	[smem:$0x3FD2] =	sst s25  }
0xa6: {  	s5 =	sshll.u32 s26, $0x1;
	_ =	strace $0x80000046;
	[dreg:$0x1] =	wrdreg $0xFFFFFFFF  }
0xa7: {  	s28 =	simm.s32 $_size_execute0_lowered;
	s3 =	sadd.s32 s3, s5;
	[dreg:$0x0] =	wrdreg $0x0  }
0xa8: {  	s5 =	sshll.u32 s28, $0x1;
	[dreg:$0x2] =	wrdreg s3  }
0xa9: {  	[dreg:$0x3] =	wrdreg s5  }
0xaa: {  	[dreg:$0x4] =	wrdreg $0xC0  }
0xab: {  	_ =	task [dreg:s7], $0x5FFFF  }
0xac: {  	[dreg:$0x1] =	wrdreg $0xFFFFFFFF  }
0xad: {  	[dreg:$0x0] =	wrdreg $0x60  }
0xae: {  	[dreg:$0x2] =	wrdreg s24  }
0xaf: {  	[dreg:$0x3] =	wrdreg s2  }
0xb0: {  	[dreg:$0x4] =	wrdreg $0x0  }
0xb1: {  	[dreg:$0x5] =	wrdreg $0x9  }
0xb2: {  	_ =	task.clear_ibuf [dreg:s7], $0x6FFFF;
	_ =	strace $0x90000046  }
0xb3: {  	s29 =	simm.s32 $0x9;
	_ =	strace $0x80000048  }
0xb4: {  	_ =	swait.ge [sflag:s29], $0x1  }
0xb5: {  	[sflag:s29] =	ssyncadd.s32 $0xFFFFFFFF  }
0xb6: {  	_ =	strace $0x90000048  }
0xb7: {  	_ =	sfence  }
0xb8: {  	s30 =	sld [smem:$0x0];
	_ =	sdelay $0x2  }
0xb9: {  	s31 =	sshll.u32 s1, $0xD;
	s1 =	sshrl.u32 s1, $0x2  }
0xba: {  	s3 =	sand.u32 $0x4000, s31;
	s1 =	sadd.s32 s1, s30  }
0xbb: {  	s0 =	sor.u32 s3, s0;
	s1 =	sshll.u32 s1, $0x11  }
0xbc: {  	s0 =	sor.u32 s1, s0  }
0xbd: {  	s0 =	sadd.s32 $0x8F2B, s0  }
0xbe: {  	[sflag:s0] =	ssyncadd.remote.s32 $0x1  }
0xbf: {  	_ =	sfence.sel $0xFFFF  }
0xc0: {  	[dreg:$0x0] =	wrdreg $0xFFFFFFFF;
	(pc) =	sbr.abs _section_cstart, $3  }
0xc1: {  	[dreg:$0x1] =	wrdreg $0xFFFFFFFF  }
0xc2: {  	_ =	task.clear_ibuf [dreg:s7], $0x2FFFF;
	_ =	strace $0x9FFFFFFF  }
0xc3: {  	(tm) =	ssettm $0x7FFFFFFF  }
tec
execute0_lowered:
.L_overlay_start_1:
0x0: {  	(tag) =	ssettag $0x1  }
0x1: {  	s0 =	rddreg [dreg:$0x0]  }
0x2: {  	s2 =	rddreg [dreg:$0x2];
	s1 =	srdreg.scid  }
0x3: {  	s13 =	simm.s32 $0x0;
	s8 =	stileid.u32;
	s14 =	simm.s32 $0x9  }
0x4: {  	s15 =	simm.s32 $0x14000;
	s17 =	simm.s32 $0x40;
	s18 =	simm.s32 $0x16800  }
0x5: {  	s19 =	simm.s32 $0x14080;
	s20 =	simm.s32 $0x18800;
	s21 =	simm.s32 $0x14100  }
0x6: {  	s28 =	simm.s32 $0x3;
	s29 =	simm.s32 $0x4;
	s30 =	simm.s32 $0x5  }
0x7: {  	s31 =	simm.s32 $0x6;
	s11 =	simm.s32 $0x16680;
	s12 =	simm.s32 $0x16700  }
0x8: {  	s1 =	sand.u32 $0x1, s1;
	[smem:$0x7FF] =	sst s13;
	s4 =	smul.u32 $0x14000, s8  }
0x9: {  	s5 =	sadd.s32 $0x29E00, s0;
	s6 =	sadd.s32 $0x1E00, s0;
	s23 =	smul.u32 $0x50000, s8  }
0xa: {  	s7 =	sadd.s32 $0x78000, s0;
	s9 =	sshll.u32 s8, $0x6;
	s8 =	smul.u32 $0xA000, s8  }
0xb: {  	s3 =	smul.u32 $0x140000, s1;
	_ =	strace $0x80000047;
	[dreg:$0x5] =	wrdreg s7  }
0xc: {  	s22 =	ssub.s32 $0x2, s1;
	s1 =	smul.u32 $0xA0000, s1;
	s16 =	sor.u32 $0x1C09, s9  }
0xd: {  	s9 =	simm.s32 $0x16780;
	s24 =	sshrl.u32 s22, $0x1;
	s7 =	sshrl.u32 s23, $0x2  }
0xe: {  	s23 =	simm.s32 $0x14180;
	[dreg:$0x6] =	wrdreg s16;
	s3 =	sadd.s32 s4, s3  }
0xf: {  	s25 =	sadd.s32 s7, s2;
	s10 =	sadd.s32 s1, s8;
	s7 =	simm.s32 $0x16600  }
0x10: {  	s3 =	sshrl.u32 s3, $0x3;
	s4 =	sshrl.u32 s25, $0x3;
	s25 =	simm.s32 $0x1  }
0x11: {  	s0 =	sadd.s32 s3, s0;
	s3 =	ssub.s32 s22, s24;
	s22 =	simm.s32 $0x1A800  }
0x12: {  	s24 =	simm.s32 $0x1C800;
	[dreg:$0x9] =	wrdreg s4;
	s0 =	sadd.s32 $0x7A800, s0  }
0x13: {  	s26 =	smax.u32 s3, $0x1;
	s3 =	simm.s32 $0x8;
	[dreg:$0x7] =	wrdreg s0  }
0x14: {  	[dreg:$0x8] =	wrdreg s26;
	s26 =	simm.s32 $0x2;
	s0 =	simm.s32 $0x7  }
.LBB2_1:
0x15: {  	[dreg:$0x4] =	wrdreg s13  }
0x16: {  	s1 =	rddreg [dreg:$0x5]  }
0x17: {  	[spmem:s4], [sflag:s16] =	dma.local [hbm:s1], $0x2800  }
0x18: {  	_ =	swait.ge [sflag:s14], $0x2800  }
0x19: {  	[sflag:s14] =	ssyncset.done $0x0  }
0x1a: {  	[sflag:s14] =	ssyncadd.s32 $0xFFFFD800  }
0x1b: {  	s13 =	simm.s32 $0x0;
	[bflag:$0x0] =	sbarrier.arrive $0xFFFF  }
.LBB2_2:
0x1c: {  	s1 =	smul.u32 $0x1400, s13;
	_ =	sdelay $0x1  }
0x1d: {  	s4 =	sadd.s32 s10, s1  }
0x1e: {  	s4 =	sshrl.u32 s4, $0x3  }
0x1f: {  	s16 =	simm.s32 $0x0;
	s4 =	sadd.s32 s6, s4  }
0x20: {  	[tilespmem:s15], [sflag:$0x9] =	stream.linear.gather [hbm4b:s4+s16], $0x1400, $0x38;
	[tilespmem:$0x1E800] =	vst v63  }
0x21: {  	_ =	swait.ge [sflag:s14], $0x1400  }
0x22: {  	[sflag:s14] =	ssyncset.done $0x0  }
0x23: {  	s1 =	sadd.s32 s8, s1;
	[sflag:s14] =	ssyncadd.s32 $0xFFFFEC00  }
0x24: {  	s1 =	sshrl.u32 s1, $0x3;
	s4 =	rddreg [dreg:$0x1]  }
0x25: {  	s1 =	sadd.s32 s4, s1;
	s4 =	simm.s32 $0x15400  }
0x26: {  	[tilespmem:s4], [sflag:$0x9] =	stream.linear.gather [hbm4b:s1+s16], $0x1400, $0x38;
	[tilespmem:$0x1E800] =	vst v63  }
0x27: {  	_ =	swait.ge [sflag:s14], $0x1400  }
0x28: {  	[sflag:s14] =	ssyncset.done $0x0  }
0x29: {  	[sflag:s14] =	ssyncadd.s32 $0xFFFFEC00  }
0x2a: {  	[tilespmem:s18], [sflag:$0x1] =	stream.indirect.gather [hbm4b:s5+s17], $0x80, s15, s17, $0xb8;
	[tilespmem:$0x1E800] =	vst v63  }
0x2b: {  	_ = 	snop  }
0x2c: {  	[tilespmem:s20], [sflag:$0x2] =	stream.indirect.gather [hbm4b:s5+s17], $0x80, s19, s17, $0xb8;
	[tilespmem:$0x1E800] =	vst v63  }
0x2d: {  	_ = 	snop  }
0x2e: {  	[tilespmem:s22], [sflag:$0x3] =	stream.indirect.gather [hbm4b:s5+s17], $0x80, s21, s17, $0xb8;
	[tilespmem:$0x1E800] =	vst v63  }
0x2f: {  	_ = 	snop  }
0x30: {  	[tilespmem:s24], [sflag:$0x4] =	stream.indirect.gather [hbm4b:s5+s17], $0x80, s23, s17, $0xb8;
	[tilespmem:$0x1E800] =	vst v63  }
0x31: {  	_ =	swait.ge [sflag:s25], $0x2000  }
0x32: {  	[sflag:s25] =	ssyncset.done $0x0  }
0x33: {  	s16 =	simm.s32 $0x15400;
	[sflag:s25] =	ssyncadd.s32 $0xFFFFE000  }
0x34: {  	[spmem:s2] =	stream.indirect.scatter.add.f32 [tilespmem:s18], [sflag:$0x5], $0x80, s16, s17, $0xb8;
	[tilespmem:$0x1E800] =	vst v63  }
0x35: {  	_ =	swait.ge [sflag:s26], $0x2000  }
0x36: {  	[sflag:s26] =	ssyncset.done $0x0  }
0x37: {  	s4 =	simm.s32 $0x15480;
	[sflag:s26] =	ssyncadd.s32 $0xFFFFE000  }
0x38: {  	[spmem:s2] =	stream.indirect.scatter.add.f32 [tilespmem:s20], [sflag:$0x6], $0x80, s4, s17, $0xb8;
	[tilespmem:$0x1E800] =	vst v63  }
0x39: {  	_ =	swait.ge [sflag:s28], $0x2000  }
0x3a: {  	[sflag:s28] =	ssyncset.done $0x0  }
0x3b: {  	s16 =	simm.s32 $0x15500;
	[sflag:s28] =	ssyncadd.s32 $0xFFFFE000  }
0x3c: {  	[spmem:s2] =	stream.indirect.scatter.add.f32 [tilespmem:s22], [sflag:$0x7], $0x80, s16, s17, $0xb8;
	[tilespmem:$0x1E800] =	vst v63  }
0x3d: {  	_ =	swait.ge [sflag:s29], $0x2000  }
0x3e: {  	[sflag:s29] =	ssyncset.done $0x0  }
0x3f: {  	s4 =	simm.s32 $0x15580;
	[sflag:s29] =	ssyncadd.s32 $0xFFFFE000  }
0x40: {  	[spmem:s2] =	stream.indirect.scatter.add.f32 [tilespmem:s24], [sflag:$0x8], $0x80, s4, s17, $0xb8;
	[tilespmem:$0x1E800] =	vst v63  }
0x41: {  	_ =	swait.ge [sflag:s30], $0x2000  }
0x42: {  	[sflag:s30] =	ssyncset.done $0x0  }
0x43: {  	s16 =	simm.s32 $0x14200;
	[sflag:s30] =	ssyncadd.s32 $0xFFFFE000  }
0x44: {  	[tilespmem:s18], [sflag:$0x1] =	stream.indirect.gather [hbm4b:s5+s17], $0x80, s16, s17, $0xb8;
	[tilespmem:$0x1E800] =	vst v63  }
0x45: {  	_ =	swait.ge [sflag:s31], $0x2000  }
0x46: {  	[sflag:s31] =	ssyncset.done $0x0  }
0x47: {  	s4 =	simm.s32 $0x14280;
	[sflag:s31] =	ssyncadd.s32 $0xFFFFE000  }
0x48: {  	[tilespmem:s20], [sflag:$0x2] =	stream.indirect.gather [hbm4b:s5+s17], $0x80, s4, s17, $0xb8;
	[tilespmem:$0x1E800] =	vst v63  }
0x49: {  	_ =	swait.ge [sflag:s0], $0x2000  }
0x4a: {  	[sflag:s0] =	ssyncset.done $0x0  }
0x4b: {  	s16 =	simm.s32 $0x14300;
	[sflag:s0] =	ssyncadd.s32 $0xFFFFE000  }
0x4c: {  	[tilespmem:s22], [sflag:$0x3] =	stream.indirect.gather [hbm4b:s5+s17], $0x80, s16, s17, $0xb8;
	[tilespmem:$0x1E800] =	vst v63  }
0x4d: {  	_ =	swait.ge [sflag:s3], $0x2000  }
0x4e: {  	[sflag:s3] =	ssyncset.done $0x0  }
0x4f: {  	s1 =	simm.s32 $0x14380;
	s4 =	simm.s32 $0x800;
	[sflag:s3] =	ssyncadd.s32 $0xFFFFE000  }
.LBB2_3:
0x50: {  	[tilespmem:s24], [sflag:$0x4] =	stream.indirect.gather [hbm4b:s5+s17], $0x80, s1, s17, $0xb8;
	[tilespmem:$0x1E800] =	vst v63  }
0x51: {  	s1 =	smov.u32 s4  }
0x52: {  	p0 =	sne.s32 s4, $0x4000;
	s4 =	sadd.s32 $0x800, s4;
	_ =	swait.ge [sflag:s25], $0x2000  }
0x53: {  	s1 =	sshra.s32 s1, $0x2;
	[sflag:s25] =	ssyncset.done $0x0  }
0x54: {  	s16 =	sadd.s32 $0x15400, s1;
	[sflag:s25] =	ssyncadd.s32 $0xFFFFE000  }
0x55: {  	[spmem:s2] =	stream.indirect.scatter.add.f32 [tilespmem:s18], [sflag:$0x5], $0x80, s16, s17, $0xb8;
	[tilespmem:$0x1E800] =	vst v63  }
0x56: {  	_ =	swait.ge [sflag:s26], $0x2000  }
0x57: {  	[sflag:s26] =	ssyncset.done $0x0  }
0x58: {  	s16 =	sadd.s32 $0x15480, s1;
	[sflag:s26] =	ssyncadd.s32 $0xFFFFE000  }
0x59: {  	[spmem:s2] =	stream.indirect.scatter.add.f32 [tilespmem:s20], [sflag:$0x6], $0x80, s16, s17, $0xb8;
	[tilespmem:$0x1E800] =	vst v63  }
0x5a: {  	_ =	swait.ge [sflag:s28], $0x2000  }
0x5b: {  	[sflag:s28] =	ssyncset.done $0x0  }
0x5c: {  	s16 =	sadd.s32 $0x15500, s1;
	[sflag:s28] =	ssyncadd.s32 $0xFFFFE000  }
0x5d: {  	[spmem:s2] =	stream.indirect.scatter.add.f32 [tilespmem:s22], [sflag:$0x7], $0x80, s16, s17, $0xb8;
	[tilespmem:$0x1E800] =	vst v63  }
0x5e: {  	_ =	swait.ge [sflag:s29], $0x2000  }
0x5f: {  	[sflag:s29] =	ssyncset.done $0x0  }
0x60: {  	s16 =	sadd.s32 $0x15580, s1;
	[sflag:s29] =	ssyncadd.s32 $0xFFFFE000  }
0x61: {  	[spmem:s2] =	stream.indirect.scatter.add.f32 [tilespmem:s24], [sflag:$0x8], $0x80, s16, s17, $0xb8;
	[tilespmem:$0x1E800] =	vst v63  }
0x62: {  	_ =	swait.ge [sflag:s30], $0x2000  }
0x63: {  	[sflag:s30] =	ssyncset.done $0x0  }
0x64: {  	s16 =	sadd.s32 $0x14200, s1;
	[sflag:s30] =	ssyncadd.s32 $0xFFFFE000  }
0x65: {  	[tilespmem:s18], [sflag:$0x1] =	stream.indirect.gather [hbm4b:s5+s17], $0x80, s16, s17, $0xb8;
	[tilespmem:$0x1E800] =	vst v63  }
0x66: {  	_ =	swait.ge [sflag:s31], $0x2000  }
0x67: {  	[sflag:s31] =	ssyncset.done $0x0  }
0x68: {  	s16 =	sadd.s32 $0x14280, s1;
	[sflag:s31] =	ssyncadd.s32 $0xFFFFE000  }
0x69: {  	[tilespmem:s20], [sflag:$0x2] =	stream.indirect.gather [hbm4b:s5+s17], $0x80, s16, s17, $0xb8;
	[tilespmem:$0x1E800] =	vst v63  }
0x6a: {  	_ =	swait.ge [sflag:s0], $0x2000  }
0x6b: {  	[sflag:s0] =	ssyncset.done $0x0  }
.Ltmp0:
0x6c: {  	s16 =	sadd.s32 $0x14300, s1;
	[sflag:s0] =	ssyncadd.s32 $0xFFFFE000;
	(pc) =	sbr.rel @p0 .LBB2_3-.Ltmp0, $4  }
0x6d: {  	[tilespmem:s22], [sflag:$0x3] =	stream.indirect.gather [hbm4b:s5+s17], $0x80, s16, s17, $0xb8;
	[tilespmem:$0x1E800] =	vst v63  }
0x6e: {  	_ =	swait.ge [sflag:s3], $0x2000  }
0x6f: {  	[sflag:s3] =	ssyncset.done $0x0  }
0x70: {  	s1 =	sadd.s32 $0x14380, s1;
	[sflag:s3] =	ssyncadd.s32 $0xFFFFE000  }
0x71: {  	[tilespmem:s24], [sflag:$0x4] =	stream.indirect.gather [hbm4b:s5+s17], $0x80, s1, s17, $0xb8;
	[tilespmem:$0x1E800] =	vst v63  }
0x72: {  	_ =	swait.ge [sflag:s25], $0x2000  }
0x73: {  	[sflag:s25] =	ssyncset.done $0x0  }
0x74: {  	[sflag:s25] =	ssyncadd.s32 $0xFFFFE000  }
0x75: {  	[spmem:s2] =	stream.indirect.scatter.add.f32 [tilespmem:s18], [sflag:$0x5], $0x80, s7, s17, $0xb8;
	[tilespmem:$0x1E800] =	vst v63  }
0x76: {  	_ =	swait.ge [sflag:s26], $0x2000  }
0x77: {  	[sflag:s26] =	ssyncset.done $0x0  }
0x78: {  	[sflag:s26] =	ssyncadd.s32 $0xFFFFE000  }
0x79: {  	[spmem:s2] =	stream.indirect.scatter.add.f32 [tilespmem:s20], [sflag:$0x6], $0x80, s11, s17, $0xb8;
	[tilespmem:$0x1E800] =	vst v63  }
0x7a: {  	_ =	swait.ge [sflag:s28], $0x2000  }
0x7b: {  	[sflag:s28] =	ssyncset.done $0x0  }
0x7c: {  	[sflag:s28] =	ssyncadd.s32 $0xFFFFE000  }
0x7d: {  	[spmem:s2] =	stream.indirect.scatter.add.f32 [tilespmem:s22], [sflag:$0x7], $0x80, s12, s17, $0xb8;
	[tilespmem:$0x1E800] =	vst v63  }
0x7e: {  	_ =	swait.ge [sflag:s29], $0x2000  }
0x7f: {  	[sflag:s29] =	ssyncset.done $0x0  }
0x80: {  	[sflag:s29] =	ssyncadd.s32 $0xFFFFE000  }
0x81: {  	[spmem:s2] =	stream.indirect.scatter.add.f32 [tilespmem:s24], [sflag:$0x8], $0x80, s9, s17, $0xb8;
	[tilespmem:$0x1E800] =	vst v63  }
0x82: {  	_ =	swait.ge [sflag:s30], $0x2000  }
0x83: {  	[sflag:s30] =	ssyncset.done $0x0  }
0x84: {  	[sflag:s30] =	ssyncadd.s32 $0xFFFFE000  }
0x85: {  	_ =	swait.ge [sflag:s31], $0x2000  }
0x86: {  	[sflag:s31] =	ssyncset.done $0x0  }
0x87: {  	s13 =	sadd.s32 $0x1, s13;
	[sflag:s31] =	ssyncadd.s32 $0xFFFFE000  }
0x88: {  	p0 =	sne.s32 s13, $0x8;
	_ =	swait.ge [sflag:s0], $0x2000  }
.Ltmp1:
0x89: {  	[sflag:s0] =	ssyncset.done $0x0;
	(pc) =	sbr.rel @p0 .LBB2_2-.Ltmp1, $4  }
0x8a: {  	[sflag:s0] =	ssyncadd.s32 $0xFFFFE000  }
0x8b: {  	_ =	swait.ge [sflag:s3], $0x2000  }
0x8c: {  	[sflag:s3] =	ssyncset.done $0x0  }
0x8d: {  	[sflag:s3] =	ssyncadd.s32 $0xFFFFE000  }
0x8e: {  	[bflag:$0x0] =	sbarrier.arrive $0xFFFF  }
0x8f: {  	s16 =	rddreg [dreg:$0x6]  }
0x90: {  	s1 =	rddreg [dreg:$0x7]  }
0x91: {  	s4 =	rddreg [dreg:$0x9]  }
0x92: {  	[hbm:s1], [sflag:s16] =	dma.local [spmem:s4], $0x2800  }
0x93: {  	_ =	swait.ge [sflag:s14], $0x2800  }
0x94: {  	s13 =	rddreg [dreg:$0x4]  }
0x95: {  	s1 =	rddreg [dreg:$0x8];
	s13 =	sadd.s32 $0x1, s13  }
0x96: {  	p0 =	sne.s32 s13, s1  }
.Ltmp2:
0x97: {  	_ = 	snop;
	(pc) =	sbr.rel @p0 .LBB2_1-.Ltmp2, $3  }
0x98: {  	_ =	sdelay $0x1  }
0x99: {  	[sflag:s14] =	ssyncset.done $0x0  }
0x9a: {  	[sflag:s14] =	ssyncadd.s32 $0xFFFFD800  }
0x9b: {  	_ =	sfence.sel $0x180000  }
0x9c: {  	[bflag:$0x0] =	sbarrier.arrive $0xFFFF  }
0x9d: {  	_ =	strace $0x90000047  }
0x9e: {  	s0 =	stileid.u32;
	[bflag:$0x2] =	sbarrier.arrive $0xFFFF  }
0x9f: {  	p0 =	sne.s32 s0, $0x0;
	s0 =	rddreg [dreg:$0x3]  }
0xa0: {  	s0 =	sadd.s32 @!p0 $0x100000, s0  }
0xa1: {  	[sflag:s0] =	ssyncadd.tile.s32 @!p0 $0x1;
	_ =	shalt  }
.Lfunc_end2:
_tile_overlayer_lowered:
.L_overlay_start_2:
0xa2: {  	(tag) =	ssettag $0x2  }
0xa3: {  	s0 =	rddreg [dreg:$0x0];
	s2 =	stileid.u32  }
0xa4: {  	s1 =	rddreg [dreg:$0x1];
	p0 =	sne.s32 s2, $0x0  }
0xa5: {  	s3 =	rddreg [dreg:$0x2];
	[bflag:$0x3] =	sbarrier.arrive $0xFFFF;
	s2 =	simm.s32 @!p0 $0x1C09  }
0xa6: {  	[timem:s3], [sflag:s2] =	dma.local @!p0 [hbm:s0], s1  }
0xa7: {  	s0 =	simm.s32 @!p0 $0x9  }
0xa8: {  	_ =	swait.ge @!p0 [sflag:s0], s1  }
0xa9: {  	s1 =	ssub.s32 @!p0 $0x0, s1;
	[sflag:s0] =	ssyncset.done @!p0 $0x0  }
0xaa: {  	[sflag:s0] =	ssyncadd.s32 @!p0 s1  }
0xab: {  	[bflag:$0x3] =	sbarrier.arrive $0xFFFF  }
0xac: {  	_ =	shalt  }

</sc_bundles>
